<compile_context>
chip_gen: v7x
topology: tpu7x:2x2x1
jax: 0.10.2.dev20260603
libtpu: 0.0.44.dev20260713+nightly
codegen_flags: <defaults>
</compile_context>

<pallas_src>
import functools

import jax
import jax.numpy as jnp
from jax import lax
from jax.experimental import pallas as pl
from jax.experimental.pallas import tpu as pltpu
from jax.experimental.pallas import tpu_sc as plsc

NUM_ANCHORS = 16
K = 10
FEATURE_DIM = 128
ROW_TILE = 1280

NUM_WORKERS = 32
SC_CHUNK = 640


def _head_kernel(x_ref, wb_ref, bb_ref, cw_ref, cb_ref,
                 bboxp_ref, codet_ref, valst_ref):
    m_rows = x_ref.shape[0]
    half = m_rows // 2
    x = x_ref[:]
    bbox = jnp.dot(x, wb_ref[:], preferred_element_type=jnp.float32) + bb_ref[:]
    logits_t = lax.dot_general(cw_ref[:], x, (((0,), (1,)), ((), ())),
                               preferred_element_type=jnp.float32) + cb_ref[:]
    c = jax.nn.sigmoid(logits_t)

    iota_a = lax.broadcasted_iota(jnp.int32, (NUM_ANCHORS, m_rows), 0)
    vals_rows, code_rows = [], []
    for _ in range(K):
        m = jnp.max(c, axis=0, keepdims=True)
        idxk = jnp.min(jnp.where(c == m, iota_a, NUM_ANCHORS),
                       axis=0, keepdims=True)
        vals_rows.append(m)
        code_rows.append(jnp.where(m > 0.5, 4 * idxk, -1))
        c = jnp.where(iota_a == idxk, -1.0, c)

    vpad = jnp.zeros((NUM_ANCHORS - K, m_rows), jnp.float32)
    cpad = jnp.full((NUM_ANCHORS - K, m_rows), -1, jnp.int32)
    bboxp_ref[:, : NUM_ANCHORS * 4] = bbox[:half]
    bboxp_ref[:, NUM_ANCHORS * 4 :] = bbox[half:]
    codet_ref[:] = jnp.concatenate(code_rows + [cpad], axis=0)
    valst_ref[:] = jnp.concatenate(vals_rows + [vpad], axis=0)


def _tc_stage(x, bbox_W, bbox_b, conf_W, conf_b):
    R = x.shape[0]
    bb = bbox_b[None, :]
    cbT = conf_b[:, None]
    grid = (R // ROW_TILE,)
    return pl.pallas_call(
        _head_kernel,
        grid=grid,
        in_specs=[
            pl.BlockSpec((ROW_TILE, FEATURE_DIM), lambda i: (i, 0)),
            pl.BlockSpec((FEATURE_DIM, NUM_ANCHORS * 4), lambda i: (0, 0)),
            pl.BlockSpec((1, NUM_ANCHORS * 4), lambda i: (0, 0)),
            pl.BlockSpec((FEATURE_DIM, NUM_ANCHORS), lambda i: (0, 0)),
            pl.BlockSpec((NUM_ANCHORS, 1), lambda i: (0, 0)),
        ],
        out_specs=[
            pl.BlockSpec((ROW_TILE // 2, 2 * NUM_ANCHORS * 4), lambda i: (i, 0)),
            pl.BlockSpec((NUM_ANCHORS, ROW_TILE), lambda i: (0, i)),
            pl.BlockSpec((NUM_ANCHORS, ROW_TILE), lambda i: (0, i)),
        ],
        out_shape=[
            jax.ShapeDtypeStruct((R // 2, 2 * NUM_ANCHORS * 4), jnp.float32),
            jax.ShapeDtypeStruct((NUM_ANCHORS, R), jnp.int32),
            jax.ShapeDtypeStruct((NUM_ANCHORS, R), jnp.float32),
        ],
        compiler_params=pltpu.CompilerParams(
            dimension_semantics=("parallel",),
        ),
    )(x, bbox_W, bb, conf_W, cbT)


def _sc_stage(codet, valst, bboxp, R):
    C = SC_CHUNK
    n_chunks = R // C
    mesh = plsc.VectorSubcoreMesh(core_axis_name="c", subcore_axis_name="s")

    @functools.partial(
        pl.kernel,
        out_type=[
            jax.ShapeDtypeStruct((R * K * 4,), jnp.float32),
            jax.ShapeDtypeStruct((R * K,), jnp.float32),
        ],
        mesh=mesh,
        scratch_types=[
            pltpu.VMEM((NUM_ANCHORS, C), jnp.int32),
            pltpu.VMEM((NUM_ANCHORS, C), jnp.float32),
            pltpu.VMEM((C + 8, 2 * NUM_ANCHORS * 4), jnp.float32),
            pltpu.VMEM((C // 2 * 40 + 16,), jnp.float32),
            pltpu.VMEM((C * 10 + 16,), jnp.float32),
        ],
        compiler_params=pltpu.CompilerParams(needs_layout_passes=False),
    )
    def sc_select(codet_hbm, valst_hbm, bboxp_hbm, det_hbm, vals_hbm,
                  codet_v, valst_v, bboxp_v, det_v, vals_v):
        wid = lax.axis_index("s") * 2 + lax.axis_index("c")
        lane = lax.iota(jnp.int32, 16)
        cmod = lane & 3
        kbase = lane >> 2
        zeros16 = jnp.zeros((16,), jnp.float32)

        for o in range(8):
            bboxp_v[C, pl.ds(o * 16, 16)] = zeros16

        def chunk_body(ci, _):
            cid = wid + NUM_WORKERS * ci

            @pl.when(cid < n_chunks)
            def _():
                r0 = cid * C
                half = (cid & 1) * (NUM_ANCHORS * 4)
                prow = (cid >> 1) * C
                pltpu.sync_copy(codet_hbm.at[:, pl.ds(r0, C)], codet_v)
                pltpu.sync_copy(valst_hbm.at[:, pl.ds(r0, C)], valst_v)
                pltpu.sync_copy(bboxp_hbm.at[pl.ds(prow, C), :],
                                bboxp_v.at[pl.ds(0, C), :])

                for q in range(2):
                    def row_body(r, _):
                        rr = q * (C // 2) + r
                        rvec = jnp.full((16,), 0, jnp.int32) + rr
                        vals_g = plsc.load_gather(valst_v, [lane, rvec])
                        vals_v[pl.ds(rr * 10, 16)] = vals_g
                        for j in range(3):
                            codes = plsc.load_gather(codet_v,
                                                     [kbase + 4 * j, rvec])
                            ok = codes >= 0
                            srow = jnp.where(ok, rvec, C)
                            scol = jnp.where(ok, codes, 0) + cmod + half
                            det_v[pl.ds(r * 40 + 16 * j, 16)] = (
                                plsc.load_gather(bboxp_v, [srow, scol]))
                        return 0

                    lax.fori_loop(0, C // 2, row_body, 0)
                    pltpu.sync_copy(
                        det_v.at[pl.ds(0, C // 2 * 40)],
                        det_hbm.at[pl.ds((r0 + q * (C // 2)) * 40, C // 2 * 40)])
                pltpu.sync_copy(vals_v.at[pl.ds(0, C * 10)],
                                vals_hbm.at[pl.ds(r0 * 10, C * 10)])

            return 0

        n_rounds = (n_chunks + NUM_WORKERS - 1) // NUM_WORKERS
        lax.fori_loop(0, n_rounds, chunk_body, 0)

    return sc_select(codet, valst, bboxp)


@functools.partial(jax.jit, static_argnames=())
def kernel(features, bbox_W, bbox_b, conf_W, conf_b):
    B, T, F = features.shape
    R = B * T
    x = features.reshape(R, F)
    bboxp, codet, valst = _tc_stage(x, bbox_W, bbox_b, conf_W, conf_b)
    det_flat, vals_flat = _sc_stage(codet, valst, bboxp, R)
    return (det_flat.reshape(B, T, K, 4), vals_flat.reshape(B, T, K),
            (vals_flat > 0.5).reshape(B, T, K))

# --- scband reference (transcript-rebuilt; emitter-appended) ---
"""Pipeline reference for scband-pedestrian-detector-28415503630416 (READ-ONLY COPY).

The authoritative reference and input builder live on the scoring server;
editing this copy changes nothing except your own understanding.
"""

import jax, jax.numpy as jnp
import numpy as np

NUM_ANCHORS = 16
MAX_DETECTIONS = 10
FEATURE_DIM = 128

def setup_inputs(seed: int = 0) -> dict:
    key = jax.random.key(seed)
    k1, k2, k3, k4, k5 = jax.random.split(key, 5)
    features = jax.random.normal(k1, (8, 20000, FEATURE_DIM), dtype=jnp.float32)
    # nn.Linear(feature_dim, num_anchors*4) and nn.Linear(feature_dim, num_anchors)
    lim = 1.0 / np.sqrt(FEATURE_DIM)
    bbox_W = jax.random.uniform(k2, (FEATURE_DIM, NUM_ANCHORS * 4), dtype=jnp.float32, minval=-lim, maxval=lim)
    bbox_b = jax.random.uniform(k3, (NUM_ANCHORS * 4,), dtype=jnp.float32, minval=-lim, maxval=lim)
    conf_W = jax.random.uniform(k4, (FEATURE_DIM, NUM_ANCHORS), dtype=jnp.float32, minval=-lim, maxval=lim)
    conf_b = jax.random.uniform(k5, (NUM_ANCHORS,), dtype=jnp.float32, minval=-lim, maxval=lim)
    return {"features": features, "bbox_W": bbox_W, "bbox_b": bbox_b, "conf_W": conf_W, "conf_b": conf_b}

def reference(features, bbox_W, bbox_b, conf_W, conf_b):
    # Vectorized, padded equivalent of the per-(b,t) python loop in the torch module.
    B, T, _ = features.shape
    K = min(MAX_DETECTIONS, NUM_ANCHORS)
    bbox_pred = features @ bbox_W + bbox_b              # [B, T, A*4]
    conf_pred = jax.nn.sigmoid(features @ conf_W + conf_b)  # [B, T, A]
    bbox_pred = bbox_pred.reshape(B, T, NUM_ANCHORS, 4)
    # per-frame top-k over anchors (same as torch.topk(conf_scores, K))
    top_vals, top_idx = jax.lax.top_k(conf_pred, K)     # [B, T, K]
    frame_detections = jnp.take_along_axis(bbox_pred, top_idx[..., None], axis=2)  # [B, T, K, 4]
    valid_mask = top_vals > 0.5                          # [B, T, K]
    # padded-ragged representation: invalid detections zeroed (frames with no valid
    # detection end up all-zero, matching the torch zeros(1,4) placeholder semantics)
    detections = frame_detections * valid_mask[..., None].astype(frame_detections.dtype)
    return detections, top_vals, valid_mask

if __name__ == "__main__":
    import jax
    _d = setup_inputs()
    print(jax.jit(kernel)(*tuple(_d.values())))

</pallas_src>

<mosaic_0001>
#map = affine_map<(d0, d1) -> (0, 0)>
#map1 = affine_map<(d0, d1) -> (0)>
module attributes {stable_mosaic.version = 14 : i64} {
  func.func @sc_select(%arg0: i32, %arg1: i32, %arg2: memref<16x160000xi32, #tpu.memory_space<hbm>>, %arg3: memref<16x160000xf32, #tpu.memory_space<hbm>>, %arg4: memref<80000x128xf32, #tpu.memory_space<hbm>>, %arg5: memref<6400000xf32, #tpu.memory_space<hbm>>, %arg6: memref<1600000xf32, #tpu.memory_space<hbm>>, %arg7: memref<16x640xi32, #tpu.memory_space<vmem>>, %arg8: memref<16x640xf32, #tpu.memory_space<vmem>>, %arg9: memref<648x128xf32, #tpu.memory_space<vmem>>, %arg10: memref<12816xf32, #tpu.memory_space<vmem>>, %arg11: memref<6416xf32, #tpu.memory_space<vmem>>) attributes {dimension_semantics = [#tpu.dimension_semantics<core_parallel>, #tpu.dimension_semantics<subcore_parallel>], iteration_bounds = array<i64: 2, 16>, scalar_prefetch = 0 : i64, scratch_operands = 5 : i64, tpu.core_type = #tpu.core_type<sc_vector_subcore>, window_params = [{transform_indices = #map}, {transform_indices = #map}, {transform_indices = #map}, {transform_indices = #map1}, {transform_indices = #map1}]} {
    %mul3A = arith.constant 2 : i32
    %mul3A_0 = arith.muli %arg1, %mul3A : i32
    %add3A = arith.addi %mul3A_0, %arg0 : i32
    %iota3A = tpu.iota {dimensions = array<i32: 0>} : vector<16xi32>
    %and3A = arith.constant 3 : i32
    %and3A_1 = vector.broadcast %and3A : i32 to vector<16xi32>
    %and3A_2 = arith.andi %iota3A, %and3A_1 : vector<16xi32>
    %shift_right_arithmetic3A = arith.constant 2 : i32
    %shift_right_arithmetic3A_3 = vector.broadcast %shift_right_arithmetic3A : i32 to vector<16xi32>
    %shift_right_arithmetic3A_4 = arith.shrsi %iota3A, %shift_right_arithmetic3A_3 : vector<16xi32>
    %broadcast_in_dim3A = arith.constant 0.000000e+00 : f32
    %broadcast_in_dim3A_5 = vector.broadcast %broadcast_in_dim3A : f32 to vector<16xf32>
    %swap3A = arith.constant 640 : i32
    %swap3A_6 = arith.index_cast %swap3A : i32 to index
    %swap3A_7 = arith.constant 0 : index
    %swap3A_8 = tpu.vector_load %arg9[%swap3A_6, %swap3A_7] {strides = array<i32>} : memref<648x128xf32, #tpu.memory_space<vmem>>, vector<16xf32>,
    tpu.vector_store %arg9[%swap3A_6, %swap3A_7], %broadcast_in_dim3A_5 {strides = array<i32>} : memref<648x128xf32, #tpu.memory_space<vmem>>, vector<16xf32>,
    %swap3A_9 = arith.constant 640 : i32
    %swap3A_10 = arith.index_cast %swap3A_9 : i32 to index
    %swap3A_11 = arith.constant 16 : index
    %swap3A_12 = tpu.vector_load %arg9[%swap3A_10, %swap3A_11] {strides = array<i32>} : memref<648x128xf32, #tpu.memory_space<vmem>>, vector<16xf32>,
    tpu.vector_store %arg9[%swap3A_10, %swap3A_11], %broadcast_in_dim3A_5 {strides = array<i32>} : memref<648x128xf32, #tpu.memory_space<vmem>>, vector<16xf32>,
    %swap3A_13 = arith.constant 640 : i32
    %swap3A_14 = arith.index_cast %swap3A_13 : i32 to index
    %swap3A_15 = arith.constant 32 : index
    %swap3A_16 = tpu.vector_load %arg9[%swap3A_14, %swap3A_15] {strides = array<i32>} : memref<648x128xf32, #tpu.memory_space<vmem>>, vector<16xf32>,
    tpu.vector_store %arg9[%swap3A_14, %swap3A_15], %broadcast_in_dim3A_5 {strides = array<i32>} : memref<648x128xf32, #tpu.memory_space<vmem>>, vector<16xf32>,
    %swap3A_17 = arith.constant 640 : i32
    %swap3A_18 = arith.index_cast %swap3A_17 : i32 to index
    %swap3A_19 = arith.constant 48 : index
    %swap3A_20 = tpu.vector_load %arg9[%swap3A_18, %swap3A_19] {strides = array<i32>} : memref<648x128xf32, #tpu.memory_space<vmem>>, vector<16xf32>,
    tpu.vector_store %arg9[%swap3A_18, %swap3A_19], %broadcast_in_dim3A_5 {strides = array<i32>} : memref<648x128xf32, #tpu.memory_space<vmem>>, vector<16xf32>,
    %swap3A_21 = arith.constant 640 : i32
    %swap3A_22 = arith.index_cast %swap3A_21 : i32 to index
    %swap3A_23 = arith.constant 64 : index
    %swap3A_24 = tpu.vector_load %arg9[%swap3A_22, %swap3A_23] {strides = array<i32>} : memref<648x128xf32, #tpu.memory_space<vmem>>, vector<16xf32>,
    tpu.vector_store %arg9[%swap3A_22, %swap3A_23], %broadcast_in_dim3A_5 {strides = array<i32>} : memref<648x128xf32, #tpu.memory_space<vmem>>, vector<16xf32>,
    %swap3A_25 = arith.constant 640 : i32
    %swap3A_26 = arith.index_cast %swap3A_25 : i32 to index
    %swap3A_27 = arith.constant 80 : index
    %swap3A_28 = tpu.vector_load %arg9[%swap3A_26, %swap3A_27] {strides = array<i32>} : memref<648x128xf32, #tpu.memory_space<vmem>>, vector<16xf32>,
    tpu.vector_store %arg9[%swap3A_26, %swap3A_27], %broadcast_in_dim3A_5 {strides = array<i32>} : memref<648x128xf32, #tpu.memory_space<vmem>>, vector<16xf32>,
    %swap3A_29 = arith.constant 640 : i32
    %swap3A_30 = arith.index_cast %swap3A_29 : i32 to index
    %swap3A_31 = arith.constant 96 : index
    %swap3A_32 = tpu.vector_load %arg9[%swap3A_30, %swap3A_31] {strides = array<i32>} : memref<648x128xf32, #tpu.memory_space<vmem>>, vector<16xf32>,
    tpu.vector_store %arg9[%swap3A_30, %swap3A_31], %broadcast_in_dim3A_5 {strides = array<i32>} : memref<648x128xf32, #tpu.memory_space<vmem>>, vector<16xf32>,
    %swap3A_33 = arith.constant 640 : i32
    %swap3A_34 = arith.index_cast %swap3A_33 : i32 to index
    %swap3A_35 = arith.constant 112 : index
    %swap3A_36 = tpu.vector_load %arg9[%swap3A_34, %swap3A_35] {strides = array<i32>} : memref<648x128xf32, #tpu.memory_space<vmem>>, vector<16xf32>,
    tpu.vector_store %arg9[%swap3A_34, %swap3A_35], %broadcast_in_dim3A_5 {strides = array<i32>} : memref<648x128xf32, #tpu.memory_space<vmem>>, vector<16xf32>,
    %scan3A = arith.constant 0 : i32
    %scan3A_37 = arith.constant 0 : i32
    %scan3A_38 = arith.constant 8 : i32
    %scan3A_39 = arith.addi %scan3A_37, %scan3A_38 : i32
    %scan3A_40 = arith.constant 1 : i32
    %scan3A_41 = scf.for %scan3A_43 = %scan3A_37 to %scan3A_39 step %scan3A_40 iter_args(%scan3A_44 = %scan3A) -> (i32)  : i32 {
      %mul3A_45 = arith.constant 32 : i32
      %mul3A_46 = arith.muli %mul3A_45, %scan3A_43 : i32
      %add3A_47 = arith.addi %add3A, %mul3A_46 : i32
      %lt3A = arith.constant 250 : i32
      %lt3A_48 = arith.cmpi slt, %add3A_47, %lt3A : i32
      %convert_element_type3A = arith.extui %lt3A_48 : i1 to i32
      %cond3A = arith.constant 0 : i32
      %cond3A_49 = arith.cmpi ne, %convert_element_type3A, %cond3A : i32
      scf.if %cond3A_49 {
        %mul3A_51 = arith.constant 640 : i32
        %mul3A_52 = arith.muli %add3A_47, %mul3A_51 : i32
        %and3A_53 = arith.constant 1 : i32
        %and3A_54 = arith.andi %add3A_47, %and3A_53 : i32
        %mul3A_55 = arith.constant 64 : i32
        %mul3A_56 = arith.muli %and3A_54, %mul3A_55 : i32
        %shift_right_arithmetic3A_57 = arith.constant 1 : i32
        %shift_right_arithmetic3A_58 = arith.shrsi %add3A_47, %shift_right_arithmetic3A_57 : i32
        %mul3A_59 = arith.constant 640 : i32
        %mul3A_60 = arith.muli %shift_right_arithmetic3A_58, %mul3A_59 : i32
        "tpu.region"() ({
          %run_scoped3A = tpu.sem_alloc : memref<!tpu.dma_semaphore, #tpu.memory_space<semaphore_mem>>
          %dma_start3A = arith.constant 0 : i32
          %dma_start3A_85 = tpu.memref_slice %arg2[%dma_start3A, %mul3A_52] : memref<16x160000xi32, #tpu.memory_space<hbm>> -> memref<16x640xi32, #tpu.memory_space<hbm>>
          %dma_start3A_86 = arith.constant 0 : i32
          %dma_start3A_87 = tpu.memref_slice %arg2[%dma_start3A_86, %mul3A_52] : memref<16x160000xi32, #tpu.memory_space<hbm>> -> memref<16x640xi32, #tpu.memory_space<hbm>>
          tpu.enqueue_dma source(%dma_start3A_87 : memref<16x640xi32, #tpu.memory_space<hbm>>) target(%arg7 : memref<16x640xi32, #tpu.memory_space<vmem>>) target_semaphore(%run_scoped3A : memref<!tpu.dma_semaphore, #tpu.memory_space<semaphore_mem>>)
          %dma_wait3A = arith.constant 0 : i32
          %dma_wait3A_88 = tpu.memref_slice %arg2[%dma_wait3A, %mul3A_52] : memref<16x160000xi32, #tpu.memory_space<hbm>> -> memref<16x640xi32, #tpu.memory_space<hbm>>
          %dma_wait3A_89 = arith.constant 0 : i32
          %dma_wait3A_90 = tpu.memref_slice %arg2[%dma_wait3A_89, %mul3A_52] : memref<16x160000xi32, #tpu.memory_space<hbm>> -> memref<16x640xi32, #tpu.memory_space<hbm>>
          tpu.wait_dma2 semaphore(%run_scoped3A : memref<!tpu.dma_semaphore, #tpu.memory_space<semaphore_mem>>) src(%dma_wait3A_90 : memref<16x640xi32, #tpu.memory_space<hbm>>) dst(%arg7 : memref<16x640xi32, #tpu.memory_space<vmem>>)
          tpu.yield
        }) : () -> ()
        "tpu.region"() ({
          %run_scoped3A = tpu.sem_alloc : memref<!tpu.dma_semaphore, #tpu.memory_space<semaphore_mem>>
          %dma_start3A = arith.constant 0 : i32
          %dma_start3A_85 = tpu.memref_slice %arg3[%dma_start3A, %mul3A_52] : memref<16x160000xf32, #tpu.memory_space<hbm>> -> memref<16x640xf32, #tpu.memory_space<hbm>>
          %dma_start3A_86 = arith.constant 0 : i32
          %dma_start3A_87 = tpu.memref_slice %arg3[%dma_start3A_86, %mul3A_52] : memref<16x160000xf32, #tpu.memory_space<hbm>> -> memref<16x640xf32, #tpu.memory_space<hbm>>
          tpu.enqueue_dma source(%dma_start3A_87 : memref<16x640xf32, #tpu.memory_space<hbm>>) target(%arg8 : memref<16x640xf32, #tpu.memory_space<vmem>>) target_semaphore(%run_scoped3A : memref<!tpu.dma_semaphore, #tpu.memory_space<semaphore_mem>>)
          %dma_wait3A = arith.constant 0 : i32
          %dma_wait3A_88 = tpu.memref_slice %arg3[%dma_wait3A, %mul3A_52] : memref<16x160000xf32, #tpu.memory_space<hbm>> -> memref<16x640xf32, #tpu.memory_space<hbm>>
          %dma_wait3A_89 = arith.constant 0 : i32
          %dma_wait3A_90 = tpu.memref_slice %arg3[%dma_wait3A_89, %mul3A_52] : memref<16x160000xf32, #tpu.memory_space<hbm>> -> memref<16x640xf32, #tpu.memory_space<hbm>>
          tpu.wait_dma2 semaphore(%run_scoped3A : memref<!tpu.dma_semaphore, #tpu.memory_space<semaphore_mem>>) src(%dma_wait3A_90 : memref<16x640xf32, #tpu.memory_space<hbm>>) dst(%arg8 : memref<16x640xf32, #tpu.memory_space<vmem>>)
          tpu.yield
        }) : () -> ()
        "tpu.region"() ({
          %run_scoped3A = tpu.sem_alloc : memref<!tpu.dma_semaphore, #tpu.memory_space<semaphore_mem>>
          %dma_start3A = arith.constant 0 : i32
          %dma_start3A_85 = arith.constant 0 : i32
          %dma_start3A_86 = tpu.memref_slice %arg9[%dma_start3A, %dma_start3A_85] : memref<648x128xf32, #tpu.memory_space<vmem>> -> memref<640x128xf32, #tpu.memory_space<vmem>>
          %dma_start3A_87 = arith.constant 0 : i32
          %dma_start3A_88 = tpu.memref_slice %arg4[%mul3A_60, %dma_start3A_87] : memref<80000x128xf32, #tpu.memory_space<hbm>> -> memref<640x128xf32, #tpu.memory_space<hbm>>
          %dma_start3A_89 = arith.constant 0 : i32
          %dma_start3A_90 = arith.constant 0 : i32
          %dma_start3A_91 = tpu.memref_slice %arg9[%dma_start3A_89, %dma_start3A_90] : memref<648x128xf32, #tpu.memory_space<vmem>> -> memref<640x128xf32, #tpu.memory_space<vmem>>
          %dma_start3A_92 = arith.constant 0 : i32
          %dma_start3A_93 = tpu.memref_slice %arg4[%mul3A_60, %dma_start3A_92] : memref<80000x128xf32, #tpu.memory_space<hbm>> -> memref<640x128xf32, #tpu.memory_space<hbm>>
          tpu.enqueue_dma source(%dma_start3A_93 : memref<640x128xf32, #tpu.memory_space<hbm>>) target(%dma_start3A_91 : memref<640x128xf32, #tpu.memory_space<vmem>>) target_semaphore(%run_scoped3A : memref<!tpu.dma_semaphore, #tpu.memory_space<semaphore_mem>>)
          %dma_wait3A = arith.constant 0 : i32
          %dma_wait3A_94 = arith.constant 0 : i32
          %dma_wait3A_95 = tpu.memref_slice %arg9[%dma_wait3A, %dma_wait3A_94] : memref<648x128xf32, #tpu.memory_space<vmem>> -> memref<640x128xf32, #tpu.memory_space<vmem>>
          %dma_wait3A_96 = arith.constant 0 : i32
          %dma_wait3A_97 = tpu.memref_slice %arg4[%mul3A_60, %dma_wait3A_96] : memref<80000x128xf32, #tpu.memory_space<hbm>> -> memref<640x128xf32, #tpu.memory_space<hbm>>
          %dma_wait3A_98 = arith.constant 0 : i32
          %dma_wait3A_99 = arith.constant 0 : i32
          %dma_wait3A_100 = tpu.memref_slice %arg9[%dma_wait3A_98, %dma_wait3A_99] : memref<648x128xf32, #tpu.memory_space<vmem>> -> memref<640x128xf32, #tpu.memory_space<vmem>>
          %dma_wait3A_101 = arith.constant 0 : i32
          %dma_wait3A_102 = tpu.memref_slice %arg4[%mul3A_60, %dma_wait3A_101] : memref<80000x128xf32, #tpu.memory_space<hbm>> -> memref<640x128xf32, #tpu.memory_space<hbm>>
          tpu.wait_dma2 semaphore(%run_scoped3A : memref<!tpu.dma_semaphore, #tpu.memory_space<semaphore_mem>>) src(%dma_wait3A_102 : memref<640x128xf32, #tpu.memory_space<hbm>>) dst(%dma_wait3A_100 : memref<640x128xf32, #tpu.memory_space<vmem>>)
          tpu.yield
        }) : () -> ()
        %scan3A_61 = arith.constant 0 : i32
        %scan3A_62 = arith.constant 0 : i32
        %scan3A_63 = arith.constant 320 : i32
        %scan3A_64 = arith.addi %scan3A_62, %scan3A_63 : i32
        %scan3A_65 = arith.constant 1 : i32
        %scan3A_66 = scf.for %scan3A_85 = %scan3A_62 to %scan3A_64 step %scan3A_65 iter_args(%scan3A_86 = %scan3A_61) -> (i32)  : i32 {
          %add3A_87 = arith.constant 0 : i32
          %add3A_88 = arith.addi %add3A_87, %scan3A_85 : i32
          %broadcast_in_dim3A_89 = arith.constant 0 : i32
          %broadcast_in_dim3A_90 = vector.broadcast %broadcast_in_dim3A_89 : i32 to vector<16xi32>
          %add3A_91 = vector.broadcast %add3A_88 : i32 to vector<16xi32>
          %add3A_92 = arith.addi %broadcast_in_dim3A_90, %add3A_91 : vector<16xi32>
          %gather3A = tpu.vector_load_idx %arg8[%iota3A, %add3A_92] : memref<16x640xf32, #tpu.memory_space<vmem>>[vector<16xi32>, vector<16xi32>], vector<16xf32>,
          %mul3A_93 = arith.constant 10 : i32
          %mul3A_94 = arith.muli %add3A_88, %mul3A_93 : i32
          %swap3A_95 = arith.index_cast %mul3A_94 : i32 to index
          %swap3A_96 = tpu.vector_load %arg11[%swap3A_95] {strides = array<i32>} : memref<6416xf32, #tpu.memory_space<vmem>>, vector<16xf32>,
          tpu.vector_store %arg11[%swap3A_95], %gather3A {strides = array<i32>} : memref<6416xf32, #tpu.memory_space<vmem>>, vector<16xf32>,
          %add3A_97 = arith.constant 0 : i32
          %add3A_98 = vector.broadcast %add3A_97 : i32 to vector<16xi32>
          %add3A_99 = arith.addi %shift_right_arithmetic3A_4, %add3A_98 : vector<16xi32>
          %gather3A_100 = tpu.vector_load_idx %arg7[%add3A_99, %add3A_92] : memref<16x640xi32, #tpu.memory_space<vmem>>[vector<16xi32>, vector<16xi32>], vector<16xi32>,
          %ge3A = arith.constant 0 : i32
          %ge3A_101 = vector.broadcast %ge3A : i32 to vector<16xi32>
          %ge3A_102 = arith.cmpi sge, %gather3A_100, %ge3A_101 : vector<16xi32>
          %jit3A = arith.constant 640 : i32
          %broadcast_in_dim3A_103 = vector.broadcast %jit3A : i32 to vector<16xi32>
          %select_n3A = arith.select %ge3A_102, %add3A_92, %broadcast_in_dim3A_103 : vector<16xi1>, vector<16xi32>
          %jit3A_104 = arith.constant 0 : i32
          %broadcast_in_dim3A_105 = vector.broadcast %jit3A_104 : i32 to vector<16xi32>
          %select_n3A_106 = arith.select %ge3A_102, %gather3A_100, %broadcast_in_dim3A_105 : vector<16xi1>, vector<16xi32>
          %add3A_107 = arith.addi %select_n3A_106, %and3A_2 : vector<16xi32>
          %add3A_108 = vector.broadcast %mul3A_56 : i32 to vector<16xi32>
          %add3A_109 = arith.addi %add3A_107, %add3A_108 : vector<16xi32>
          %gather3A_110 = tpu.vector_load_idx %arg9[%select_n3A, %add3A_109] : memref<648x128xf32, #tpu.memory_space<vmem>>[vector<16xi32>, vector<16xi32>], vector<16xf32>,
          %mul3A_111 = arith.constant 40 : i32
          %mul3A_112 = arith.muli %scan3A_85, %mul3A_111 : i32
          %add3A_113 = arith.constant 0 : i32
          %add3A_114 = arith.addi %mul3A_112, %add3A_113 : i32
          %swap3A_115 = arith.index_cast %add3A_114 : i32 to index
          %swap3A_116 = tpu.vector_load %arg10[%swap3A_115] {strides = array<i32>} : memref<12816xf32, #tpu.memory_space<vmem>>, vector<16xf32>,
          tpu.vector_store %arg10[%swap3A_115], %gather3A_110 {strides = array<i32>} : memref<12816xf32, #tpu.memory_space<vmem>>, vector<16xf32>,
          %add3A_117 = arith.constant 4 : i32
          %add3A_118 = vector.broadcast %add3A_117 : i32 to vector<16xi32>
          %add3A_119 = arith.addi %shift_right_arithmetic3A_4, %add3A_118 : vector<16xi32>
          %gather3A_120 = tpu.vector_load_idx %arg7[%add3A_119, %add3A_92] : memref<16x640xi32, #tpu.memory_space<vmem>>[vector<16xi32>, vector<16xi32>], vector<16xi32>,
          %ge3A_121 = arith.constant 0 : i32
          %ge3A_122 = vector.broadcast %ge3A_121 : i32 to vector<16xi32>
          %ge3A_123 = arith.cmpi sge, %gather3A_120, %ge3A_122 : vector<16xi32>
          %jit3A_124 = arith.constant 640 : i32
          %broadcast_in_dim3A_125 = vector.broadcast %jit3A_124 : i32 to vector<16xi32>
          %select_n3A_126 = arith.select %ge3A_123, %add3A_92, %broadcast_in_dim3A_125 : vector<16xi1>, vector<16xi32>
          %jit3A_127 = arith.constant 0 : i32
          %broadcast_in_dim3A_128 = vector.broadcast %jit3A_127 : i32 to vector<16xi32>
          %select_n3A_129 = arith.select %ge3A_123, %gather3A_120, %broadcast_in_dim3A_128 : vector<16xi1>, vector<16xi32>
          %add3A_130 = arith.addi %select_n3A_129, %and3A_2 : vector<16xi32>
          %add3A_131 = vector.broadcast %mul3A_56 : i32 to vector<16xi32>
          %add3A_132 = arith.addi %add3A_130, %add3A_131 : vector<16xi32>
          %gather3A_133 = tpu.vector_load_idx %arg9[%select_n3A_126, %add3A_132] : memref<648x128xf32, #tpu.memory_space<vmem>>[vector<16xi32>, vector<16xi32>], vector<16xf32>,
          %mul3A_134 = arith.constant 40 : i32
          %mul3A_135 = arith.muli %scan3A_85, %mul3A_134 : i32
          %add3A_136 = arith.constant 16 : i32
          %add3A_137 = arith.addi %mul3A_135, %add3A_136 : i32
          %swap3A_138 = arith.index_cast %add3A_137 : i32 to index
          %swap3A_139 = tpu.vector_load %arg10[%swap3A_138] {strides = array<i32>} : memref<12816xf32, #tpu.memory_space<vmem>>, vector<16xf32>,
          tpu.vector_store %arg10[%swap3A_138], %gather3A_133 {strides = array<i32>} : memref<12816xf32, #tpu.memory_space<vmem>>, vector<16xf32>,
          %add3A_140 = arith.constant 8 : i32
          %add3A_141 = vector.broadcast %add3A_140 : i32 to vector<16xi32>
          %add3A_142 = arith.addi %shift_right_arithmetic3A_4, %add3A_141 : vector<16xi32>
          %gather3A_143 = tpu.vector_load_idx %arg7[%add3A_142, %add3A_92] : memref<16x640xi32, #tpu.memory_space<vmem>>[vector<16xi32>, vector<16xi32>], vector<16xi32>,
          %ge3A_144 = arith.constant 0 : i32
          %ge3A_145 = vector.broadcast %ge3A_144 : i32 to vector<16xi32>
          %ge3A_146 = arith.cmpi sge, %gather3A_143, %ge3A_145 : vector<16xi32>
          %jit3A_147 = arith.constant 640 : i32
          %broadcast_in_dim3A_148 = vector.broadcast %jit3A_147 : i32 to vector<16xi32>
          %select_n3A_149 = arith.select %ge3A_146, %add3A_92, %broadcast_in_dim3A_148 : vector<16xi1>, vector<16xi32>
          %jit3A_150 = arith.constant 0 : i32
          %broadcast_in_dim3A_151 = vector.broadcast %jit3A_150 : i32 to vector<16xi32>
          %select_n3A_152 = arith.select %ge3A_146, %gather3A_143, %broadcast_in_dim3A_151 : vector<16xi1>, vector<16xi32>
          %add3A_153 = arith.addi %select_n3A_152, %and3A_2 : vector<16xi32>
          %add3A_154 = vector.broadcast %mul3A_56 : i32 to vector<16xi32>
          %add3A_155 = arith.addi %add3A_153, %add3A_154 : vector<16xi32>
          %gather3A_156 = tpu.vector_load_idx %arg9[%select_n3A_149, %add3A_155] : memref<648x128xf32, #tpu.memory_space<vmem>>[vector<16xi32>, vector<16xi32>], vector<16xf32>,
          %mul3A_157 = arith.constant 40 : i32
          %mul3A_158 = arith.muli %scan3A_85, %mul3A_157 : i32
          %add3A_159 = arith.constant 32 : i32
          %add3A_160 = arith.addi %mul3A_158, %add3A_159 : i32
          %swap3A_161 = arith.index_cast %add3A_160 : i32 to index
          %swap3A_162 = tpu.vector_load %arg10[%swap3A_161] {strides = array<i32>} : memref<12816xf32, #tpu.memory_space<vmem>>, vector<16xf32>,
          tpu.vector_store %arg10[%swap3A_161], %gather3A_156 {strides = array<i32>} : memref<12816xf32, #tpu.memory_space<vmem>>, vector<16xf32>,
          %scan3A_163 = arith.constant 0 : i32
          scf.yield %scan3A_163 : i32
        }
        %scan3A_67 = arith.constant 320 : i32
        %add3A_68 = arith.constant 0 : i32
        %add3A_69 = arith.addi %mul3A_52, %add3A_68 : i32
        %mul3A_70 = arith.constant 40 : i32
        %mul3A_71 = arith.muli %add3A_69, %mul3A_70 : i32
        "tpu.region"() ({
          %run_scoped3A = tpu.sem_alloc : memref<!tpu.dma_semaphore, #tpu.memory_space<semaphore_mem>>
          %dma_start3A = arith.constant 0 : i32
          %dma_start3A_85 = tpu.memref_slice %arg10[%dma_start3A] : memref<12816xf32, #tpu.memory_space<vmem>> -> memref<12800xf32, #tpu.memory_space<vmem>>
          %dma_start3A_86 = tpu.memref_slice %arg5[%mul3A_71] : memref<6400000xf32, #tpu.memory_space<hbm>> -> memref<12800xf32, #tpu.memory_space<hbm>>
          %dma_start3A_87 = tpu.memref_slice %arg5[%mul3A_71] : memref<6400000xf32, #tpu.memory_space<hbm>> -> memref<12800xf32, #tpu.memory_space<hbm>>
          %dma_start3A_88 = arith.constant 0 : i32
          %dma_start3A_89 = tpu.memref_slice %arg10[%dma_start3A_88] : memref<12816xf32, #tpu.memory_space<vmem>> -> memref<12800xf32, #tpu.memory_space<vmem>>
          tpu.enqueue_dma source(%dma_start3A_89 : memref<12800xf32, #tpu.memory_space<vmem>>) target(%dma_start3A_87 : memref<12800xf32, #tpu.memory_space<hbm>>) target_semaphore(%run_scoped3A : memref<!tpu.dma_semaphore, #tpu.memory_space<semaphore_mem>>)
          %dma_wait3A = arith.constant 0 : i32
          %dma_wait3A_90 = tpu.memref_slice %arg10[%dma_wait3A] : memref<12816xf32, #tpu.memory_space<vmem>> -> memref<12800xf32, #tpu.memory_space<vmem>>
          %dma_wait3A_91 = tpu.memref_slice %arg5[%mul3A_71] : memref<6400000xf32, #tpu.memory_space<hbm>> -> memref<12800xf32, #tpu.memory_space<hbm>>
          %dma_wait3A_92 = tpu.memref_slice %arg5[%mul3A_71] : memref<6400000xf32, #tpu.memory_space<hbm>> -> memref<12800xf32, #tpu.memory_space<hbm>>
          %dma_wait3A_93 = arith.constant 0 : i32
          %dma_wait3A_94 = tpu.memref_slice %arg10[%dma_wait3A_93] : memref<12816xf32, #tpu.memory_space<vmem>> -> memref<12800xf32, #tpu.memory_space<vmem>>
          tpu.wait_dma2 semaphore(%run_scoped3A : memref<!tpu.dma_semaphore, #tpu.memory_space<semaphore_mem>>) src(%dma_wait3A_94 : memref<12800xf32, #tpu.memory_space<vmem>>) dst(%dma_wait3A_92 : memref<12800xf32, #tpu.memory_space<hbm>>)
          tpu.yield
        }) : () -> ()
        %scan3A_72 = arith.constant 0 : i32
        %scan3A_73 = arith.constant 0 : i32
        %scan3A_74 = arith.constant 320 : i32
        %scan3A_75 = arith.addi %scan3A_73, %scan3A_74 : i32
        %scan3A_76 = arith.constant 1 : i32
        %scan3A_77 = scf.for %scan3A_85 = %scan3A_73 to %scan3A_75 step %scan3A_76 iter_args(%scan3A_86 = %scan3A_72) -> (i32)  : i32 {
          %add3A_87 = arith.constant 320 : i32
          %add3A_88 = arith.addi %add3A_87, %scan3A_85 : i32
          %broadcast_in_dim3A_89 = arith.constant 0 : i32
          %broadcast_in_dim3A_90 = vector.broadcast %broadcast_in_dim3A_89 : i32 to vector<16xi32>
          %add3A_91 = vector.broadcast %add3A_88 : i32 to vector<16xi32>
          %add3A_92 = arith.addi %broadcast_in_dim3A_90, %add3A_91 : vector<16xi32>
          %gather3A = tpu.vector_load_idx %arg8[%iota3A, %add3A_92] : memref<16x640xf32, #tpu.memory_space<vmem>>[vector<16xi32>, vector<16xi32>], vector<16xf32>,
          %mul3A_93 = arith.constant 10 : i32
          %mul3A_94 = arith.muli %add3A_88, %mul3A_93 : i32
          %swap3A_95 = arith.index_cast %mul3A_94 : i32 to index
          %swap3A_96 = tpu.vector_load %arg11[%swap3A_95] {strides = array<i32>} : memref<6416xf32, #tpu.memory_space<vmem>>, vector<16xf32>,
          tpu.vector_store %arg11[%swap3A_95], %gather3A {strides = array<i32>} : memref<6416xf32, #tpu.memory_space<vmem>>, vector<16xf32>,
          %add3A_97 = arith.constant 0 : i32
          %add3A_98 = vector.broadcast %add3A_97 : i32 to vector<16xi32>
          %add3A_99 = arith.addi %shift_right_arithmetic3A_4, %add3A_98 : vector<16xi32>
          %gather3A_100 = tpu.vector_load_idx %arg7[%add3A_99, %add3A_92] : memref<16x640xi32, #tpu.memory_space<vmem>>[vector<16xi32>, vector<16xi32>], vector<16xi32>,
          %ge3A = arith.constant 0 : i32
          %ge3A_101 = vector.broadcast %ge3A : i32 to vector<16xi32>
          %ge3A_102 = arith.cmpi sge, %gather3A_100, %ge3A_101 : vector<16xi32>
          %jit3A = arith.constant 640 : i32
          %broadcast_in_dim3A_103 = vector.broadcast %jit3A : i32 to vector<16xi32>
          %select_n3A = arith.select %ge3A_102, %add3A_92, %broadcast_in_dim3A_103 : vector<16xi1>, vector<16xi32>
          %jit3A_104 = arith.constant 0 : i32
          %broadcast_in_dim3A_105 = vector.broadcast %jit3A_104 : i32 to vector<16xi32>
          %select_n3A_106 = arith.select %ge3A_102, %gather3A_100, %broadcast_in_dim3A_105 : vector<16xi1>, vector<16xi32>
          %add3A_107 = arith.addi %select_n3A_106, %and3A_2 : vector<16xi32>
          %add3A_108 = vector.broadcast %mul3A_56 : i32 to vector<16xi32>
          %add3A_109 = arith.addi %add3A_107, %add3A_108 : vector<16xi32>
          %gather3A_110 = tpu.vector_load_idx %arg9[%select_n3A, %add3A_109] : memref<648x128xf32, #tpu.memory_space<vmem>>[vector<16xi32>, vector<16xi32>], vector<16xf32>,
          %mul3A_111 = arith.constant 40 : i32
          %mul3A_112 = arith.muli %scan3A_85, %mul3A_111 : i32
          %add3A_113 = arith.constant 0 : i32
          %add3A_114 = arith.addi %mul3A_112, %add3A_113 : i32
          %swap3A_115 = arith.index_cast %add3A_114 : i32 to index
          %swap3A_116 = tpu.vector_load %arg10[%swap3A_115] {strides = array<i32>} : memref<12816xf32, #tpu.memory_space<vmem>>, vector<16xf32>,
          tpu.vector_store %arg10[%swap3A_115], %gather3A_110 {strides = array<i32>} : memref<12816xf32, #tpu.memory_space<vmem>>, vector<16xf32>,
          %add3A_117 = arith.constant 4 : i32
          %add3A_118 = vector.broadcast %add3A_117 : i32 to vector<16xi32>
          %add3A_119 = arith.addi %shift_right_arithmetic3A_4, %add3A_118 : vector<16xi32>
          %gather3A_120 = tpu.vector_load_idx %arg7[%add3A_119, %add3A_92] : memref<16x640xi32, #tpu.memory_space<vmem>>[vector<16xi32>, vector<16xi32>], vector<16xi32>,
          %ge3A_121 = arith.constant 0 : i32
          %ge3A_122 = vector.broadcast %ge3A_121 : i32 to vector<16xi32>
          %ge3A_123 = arith.cmpi sge, %gather3A_120, %ge3A_122 : vector<16xi32>
          %jit3A_124 = arith.constant 640 : i32
          %broadcast_in_dim3A_125 = vector.broadcast %jit3A_124 : i32 to vector<16xi32>
          %select_n3A_126 = arith.select %ge3A_123, %add3A_92, %broadcast_in_dim3A_125 : vector<16xi1>, vector<16xi32>
          %jit3A_127 = arith.constant 0 : i32
          %broadcast_in_dim3A_128 = vector.broadcast %jit3A_127 : i32 to vector<16xi32>
          %select_n3A_129 = arith.select %ge3A_123, %gather3A_120, %broadcast_in_dim3A_128 : vector<16xi1>, vector<16xi32>
          %add3A_130 = arith.addi %select_n3A_129, %and3A_2 : vector<16xi32>
          %add3A_131 = vector.broadcast %mul3A_56 : i32 to vector<16xi32>
          %add3A_132 = arith.addi %add3A_130, %add3A_131 : vector<16xi32>
          %gather3A_133 = tpu.vector_load_idx %arg9[%select_n3A_126, %add3A_132] : memref<648x128xf32, #tpu.memory_space<vmem>>[vector<16xi32>, vector<16xi32>], vector<16xf32>,
          %mul3A_134 = arith.constant 40 : i32
          %mul3A_135 = arith.muli %scan3A_85, %mul3A_134 : i32
          %add3A_136 = arith.constant 16 : i32
          %add3A_137 = arith.addi %mul3A_135, %add3A_136 : i32
          %swap3A_138 = arith.index_cast %add3A_137 : i32 to index
          %swap3A_139 = tpu.vector_load %arg10[%swap3A_138] {strides = array<i32>} : memref<12816xf32, #tpu.memory_space<vmem>>, vector<16xf32>,
          tpu.vector_store %arg10[%swap3A_138], %gather3A_133 {strides = array<i32>} : memref<12816xf32, #tpu.memory_space<vmem>>, vector<16xf32>,
          %add3A_140 = arith.constant 8 : i32
          %add3A_141 = vector.broadcast %add3A_140 : i32 to vector<16xi32>
          %add3A_142 = arith.addi %shift_right_arithmetic3A_4, %add3A_141 : vector<16xi32>
          %gather3A_143 = tpu.vector_load_idx %arg7[%add3A_142, %add3A_92] : memref<16x640xi32, #tpu.memory_space<vmem>>[vector<16xi32>, vector<16xi32>], vector<16xi32>,
          %ge3A_144 = arith.constant 0 : i32
          %ge3A_145 = vector.broadcast %ge3A_144 : i32 to vector<16xi32>
          %ge3A_146 = arith.cmpi sge, %gather3A_143, %ge3A_145 : vector<16xi32>
          %jit3A_147 = arith.constant 640 : i32
          %broadcast_in_dim3A_148 = vector.broadcast %jit3A_147 : i32 to vector<16xi32>
          %select_n3A_149 = arith.select %ge3A_146, %add3A_92, %broadcast_in_dim3A_148 : vector<16xi1>, vector<16xi32>
          %jit3A_150 = arith.constant 0 : i32
          %broadcast_in_dim3A_151 = vector.broadcast %jit3A_150 : i32 to vector<16xi32>
          %select_n3A_152 = arith.select %ge3A_146, %gather3A_143, %broadcast_in_dim3A_151 : vector<16xi1>, vector<16xi32>
          %add3A_153 = arith.addi %select_n3A_152, %and3A_2 : vector<16xi32>
          %add3A_154 = vector.broadcast %mul3A_56 : i32 to vector<16xi32>
          %add3A_155 = arith.addi %add3A_153, %add3A_154 : vector<16xi32>
          %gather3A_156 = tpu.vector_load_idx %arg9[%select_n3A_149, %add3A_155] : memref<648x128xf32, #tpu.memory_space<vmem>>[vector<16xi32>, vector<16xi32>], vector<16xf32>,
          %mul3A_157 = arith.constant 40 : i32
          %mul3A_158 = arith.muli %scan3A_85, %mul3A_157 : i32
          %add3A_159 = arith.constant 32 : i32
          %add3A_160 = arith.addi %mul3A_158, %add3A_159 : i32
          %swap3A_161 = arith.index_cast %add3A_160 : i32 to index
          %swap3A_162 = tpu.vector_load %arg10[%swap3A_161] {strides = array<i32>} : memref<12816xf32, #tpu.memory_space<vmem>>, vector<16xf32>,
          tpu.vector_store %arg10[%swap3A_161], %gather3A_156 {strides = array<i32>} : memref<12816xf32, #tpu.memory_space<vmem>>, vector<16xf32>,
          %scan3A_163 = arith.constant 0 : i32
          scf.yield %scan3A_163 : i32
        }
        %scan3A_78 = arith.constant 320 : i32
        %add3A_79 = arith.constant 320 : i32
        %add3A_80 = arith.addi %mul3A_52, %add3A_79 : i32
        %mul3A_81 = arith.constant 40 : i32
        %mul3A_82 = arith.muli %add3A_80, %mul3A_81 : i32
        "tpu.region"() ({
          %run_scoped3A = tpu.sem_alloc : memref<!tpu.dma_semaphore, #tpu.memory_space<semaphore_mem>>
          %dma_start3A = arith.constant 0 : i32
          %dma_start3A_85 = tpu.memref_slice %arg10[%dma_start3A] : memref<12816xf32, #tpu.memory_space<vmem>> -> memref<12800xf32, #tpu.memory_space<vmem>>
          %dma_start3A_86 = tpu.memref_slice %arg5[%mul3A_82] : memref<6400000xf32, #tpu.memory_space<hbm>> -> memref<12800xf32, #tpu.memory_space<hbm>>
          %dma_start3A_87 = tpu.memref_slice %arg5[%mul3A_82] : memref<6400000xf32, #tpu.memory_space<hbm>> -> memref<12800xf32, #tpu.memory_space<hbm>>
          %dma_start3A_88 = arith.constant 0 : i32
          %dma_start3A_89 = tpu.memref_slice %arg10[%dma_start3A_88] : memref<12816xf32, #tpu.memory_space<vmem>> -> memref<12800xf32, #tpu.memory_space<vmem>>
          tpu.enqueue_dma source(%dma_start3A_89 : memref<12800xf32, #tpu.memory_space<vmem>>) target(%dma_start3A_87 : memref<12800xf32, #tpu.memory_space<hbm>>) target_semaphore(%run_scoped3A : memref<!tpu.dma_semaphore, #tpu.memory_space<semaphore_mem>>)
          %dma_wait3A = arith.constant 0 : i32
          %dma_wait3A_90 = tpu.memref_slice %arg10[%dma_wait3A] : memref<12816xf32, #tpu.memory_space<vmem>> -> memref<12800xf32, #tpu.memory_space<vmem>>
          %dma_wait3A_91 = tpu.memref_slice %arg5[%mul3A_82] : memref<6400000xf32, #tpu.memory_space<hbm>> -> memref<12800xf32, #tpu.memory_space<hbm>>
          %dma_wait3A_92 = tpu.memref_slice %arg5[%mul3A_82] : memref<6400000xf32, #tpu.memory_space<hbm>> -> memref<12800xf32, #tpu.memory_space<hbm>>
          %dma_wait3A_93 = arith.constant 0 : i32
          %dma_wait3A_94 = tpu.memref_slice %arg10[%dma_wait3A_93] : memref<12816xf32, #tpu.memory_space<vmem>> -> memref<12800xf32, #tpu.memory_space<vmem>>
          tpu.wait_dma2 semaphore(%run_scoped3A : memref<!tpu.dma_semaphore, #tpu.memory_space<semaphore_mem>>) src(%dma_wait3A_94 : memref<12800xf32, #tpu.memory_space<vmem>>) dst(%dma_wait3A_92 : memref<12800xf32, #tpu.memory_space<hbm>>)
          tpu.yield
        }) : () -> ()
        %mul3A_83 = arith.constant 10 : i32
        %mul3A_84 = arith.muli %mul3A_52, %mul3A_83 : i32
        "tpu.region"() ({
          %run_scoped3A = tpu.sem_alloc : memref<!tpu.dma_semaphore, #tpu.memory_space<semaphore_mem>>
          %dma_start3A = arith.constant 0 : i32
          %dma_start3A_85 = tpu.memref_slice %arg11[%dma_start3A] : memref<6416xf32, #tpu.memory_space<vmem>> -> memref<6400xf32, #tpu.memory_space<vmem>>
          %dma_start3A_86 = tpu.memref_slice %arg6[%mul3A_84] : memref<1600000xf32, #tpu.memory_space<hbm>> -> memref<6400xf32, #tpu.memory_space<hbm>>
          %dma_start3A_87 = tpu.memref_slice %arg6[%mul3A_84] : memref<1600000xf32, #tpu.memory_space<hbm>> -> memref<6400xf32, #tpu.memory_space<hbm>>
          %dma_start3A_88 = arith.constant 0 : i32
          %dma_start3A_89 = tpu.memref_slice %arg11[%dma_start3A_88] : memref<6416xf32, #tpu.memory_space<vmem>> -> memref<6400xf32, #tpu.memory_space<vmem>>
          tpu.enqueue_dma source(%dma_start3A_89 : memref<6400xf32, #tpu.memory_space<vmem>>) target(%dma_start3A_87 : memref<6400xf32, #tpu.memory_space<hbm>>) target_semaphore(%run_scoped3A : memref<!tpu.dma_semaphore, #tpu.memory_space<semaphore_mem>>)
          %dma_wait3A = arith.constant 0 : i32
          %dma_wait3A_90 = tpu.memref_slice %arg11[%dma_wait3A] : memref<6416xf32, #tpu.memory_space<vmem>> -> memref<6400xf32, #tpu.memory_space<vmem>>
          %dma_wait3A_91 = tpu.memref_slice %arg6[%mul3A_84] : memref<1600000xf32, #tpu.memory_space<hbm>> -> memref<6400xf32, #tpu.memory_space<hbm>>
          %dma_wait3A_92 = tpu.memref_slice %arg6[%mul3A_84] : memref<1600000xf32, #tpu.memory_space<hbm>> -> memref<6400xf32, #tpu.memory_space<hbm>>
          %dma_wait3A_93 = arith.constant 0 : i32
          %dma_wait3A_94 = tpu.memref_slice %arg11[%dma_wait3A_93] : memref<6416xf32, #tpu.memory_space<vmem>> -> memref<6400xf32, #tpu.memory_space<vmem>>
          tpu.wait_dma2 semaphore(%run_scoped3A : memref<!tpu.dma_semaphore, #tpu.memory_space<semaphore_mem>>) src(%dma_wait3A_94 : memref<6400xf32, #tpu.memory_space<vmem>>) dst(%dma_wait3A_92 : memref<6400xf32, #tpu.memory_space<hbm>>)
          tpu.yield
        }) : () -> ()
      } else {
      }
      %scan3A_50 = arith.constant 0 : i32
      scf.yield %scan3A_50 : i32
    }
    %scan3A_42 = arith.constant 8 : i32
    return
  }
}

module attributes {stable_mosaic.version = 14 : i64} {
  func.func @_head_kernel(%arg0: i32, %arg1: memref<1280x128xf32, #tpu.memory_space<vmem>>, %arg2: memref<128x64xf32, #tpu.memory_space<vmem>>, %arg3: memref<1x64xf32, #tpu.memory_space<vmem>>, %arg4: memref<128x16xf32, #tpu.memory_space<vmem>>, %arg5: memref<16x1xf32, #tpu.memory_space<vmem>>, %arg6: memref<640x128xf32, #tpu.memory_space<vmem>>, %arg7: memref<16x1280xi32, #tpu.memory_space<vmem>>, %arg8: memref<16x1280xf32, #tpu.memory_space<vmem>>) attributes {dimension_semantics = [#tpu.dimension_semantics<parallel>], iteration_bounds = array<i64: 125>, scalar_prefetch = 0 : i64, scratch_operands = 0 : i64, tpu.core_type = #tpu.core_type<tc>, window_params = [{transform_indices = @transform_0, window_bounds = array<i64: 1280, 128>}, {pipeline_mode = #tpu.pipeline_mode<synchronous>, transform_indices = @transform_1, window_bounds = array<i64: 128, 64>}, {pipeline_mode = #tpu.pipeline_mode<synchronous>, transform_indices = @transform_2, window_bounds = array<i64: 1, 64>}, {pipeline_mode = #tpu.pipeline_mode<synchronous>, transform_indices = @transform_3, window_bounds = array<i64: 128, 16>}, {pipeline_mode = #tpu.pipeline_mode<synchronous>, transform_indices = @transform_4, window_bounds = array<i64: 16, 1>}, {transform_indices = @transform_5, window_bounds = array<i64: 640, 128>}, {transform_indices = @transform_6, window_bounds = array<i64: 16, 1280>}, {transform_indices = @transform_7, window_bounds = array<i64: 16, 1280>}]} {
    %get3A = arith.constant 0 : index
    %get3A_0 = arith.constant 0 : index
    %get3A_1 = vector.load %arg1[%get3A, %get3A_0] : memref<1280x128xf32, #tpu.memory_space<vmem>>, vector<1280x128xf32>
    %get3A_2 = arith.constant 0 : index
    %get3A_3 = arith.constant 0 : index
    %get3A_4 = vector.load %arg2[%get3A_2, %get3A_3] : memref<128x64xf32, #tpu.memory_space<vmem>>, vector<128x64xf32>
    %dot_general3A = arith.constant dense<0.000000e+00> : vector<1280x64xf32>
    %dot_general3A_5 = tpu.matmul %get3A_1, %get3A_4, %dot_general3A {dimension_numbers = #tpu.dot_dimension_numbers<[1], [0], [0], [1], [0, 0, 1, 1], [], []>, transpose_lhs_hint = false} : vector<1280x128xf32>, vector<128x64xf32>, vector<1280x64xf32> -> vector<1280x64xf32>
    %get3A_6 = arith.constant 0 : index
    %get3A_7 = arith.constant 0 : index
    %get3A_8 = vector.load %arg3[%get3A_6, %get3A_7] : memref<1x64xf32, #tpu.memory_space<vmem>>, vector<1x64xf32>
    %add3A = vector.broadcast %get3A_8 : vector<1x64xf32> to vector<1280x64xf32>
    %add3A_9 = arith.addf %dot_general3A_5, %add3A : vector<1280x64xf32>
    %get3A_10 = arith.constant 0 : index
    %get3A_11 = arith.constant 0 : index
    %get3A_12 = vector.load %arg4[%get3A_10, %get3A_11] : memref<128x16xf32, #tpu.memory_space<vmem>>, vector<128x16xf32>
    %dot_general3A_13 = arith.constant dense<0.000000e+00> : vector<16x1280xf32>
    %dot_general3A_14 = tpu.matmul %get3A_12, %get3A_1, %dot_general3A_13 {dimension_numbers = #tpu.dot_dimension_numbers<[0], [1], [1], [0], [0, 1, 1, 0], [], []>, transpose_lhs_hint = false} : vector<128x16xf32>, vector<1280x128xf32>, vector<16x1280xf32> -> vector<16x1280xf32>
    %get3A_15 = arith.constant 0 : index
    %get3A_16 = arith.constant 0 : index
    %get3A_17 = vector.load %arg5[%get3A_15, %get3A_16] : memref<16x1xf32, #tpu.memory_space<vmem>>, vector<16x1xf32>
    %add3A_18 = vector.broadcast %get3A_17 : vector<16x1xf32> to vector<16x1280xf32>
    %add3A_19 = arith.addf %dot_general3A_14, %add3A_18 : vector<16x1280xf32>
    %logistic3A = arith.negf %add3A_19 : vector<16x1280xf32>
    %logistic3A_20 = math.exp %logistic3A : vector<16x1280xf32>
    %logistic3A_21 = arith.constant 1.000000e+00 : f32
    %logistic3A_22 = vector.broadcast %logistic3A_21 : f32 to vector<16x1280xf32>
    %logistic3A_23 = arith.addf %logistic3A_22, %logistic3A_20 : vector<16x1280xf32>
    %logistic3A_24 = arith.divf %logistic3A_22, %logistic3A_23 : vector<16x1280xf32>
    %iota3A = tpu.iota {dimensions = array<i32: 0>} : vector<16x1280xi32>
    %reduce_max3A = arith.constant dense<0xFF800000> : vector<1280xf32>
    %reduce_max3A_25 = vector.multi_reduction <maximumf>, %logistic3A_24, %reduce_max3A [0] : vector<16x1280xf32> to vector<1280xf32>
    %broadcast_in_dim3A = vector.shape_cast %reduce_max3A_25 : vector<1280xf32> to vector<1x1280xf32>
    %eq3A = vector.broadcast %broadcast_in_dim3A : vector<1x1280xf32> to vector<16x1280xf32>
    %eq3A_26 = arith.cmpf oeq, %logistic3A_24, %eq3A : vector<16x1280xf32>
    %jit3A = arith.constant 16 : i32
    %broadcast_in_dim3A_27 = vector.broadcast %jit3A : i32 to vector<16x1280xi32>
    %select_n3A = arith.select %eq3A_26, %iota3A, %broadcast_in_dim3A_27 : vector<16x1280xi1>, vector<16x1280xi32>
    %reduce_min3A = arith.constant dense<2147483647> : vector<1280xi32>
    %reduce_min3A_28 = vector.multi_reduction <minsi>, %select_n3A, %reduce_min3A [0] : vector<16x1280xi32> to vector<1280xi32>
    %broadcast_in_dim3A_29 = vector.shape_cast %reduce_min3A_28 : vector<1280xi32> to vector<1x1280xi32>
    %gt3A = arith.constant 5.000000e-01 : f32
    %gt3A_30 = vector.broadcast %gt3A : f32 to vector<1x1280xf32>
    %gt3A_31 = arith.cmpf ogt, %broadcast_in_dim3A, %gt3A_30 : vector<1x1280xf32>
    %mul3A = arith.constant 4 : i32
    %mul3A_32 = vector.broadcast %mul3A : i32 to vector<1x1280xi32>
    %mul3A_33 = arith.muli %mul3A_32, %broadcast_in_dim3A_29 : vector<1x1280xi32>
    %jit3A_34 = arith.constant -1 : i32
    %broadcast_in_dim3A_35 = vector.broadcast %jit3A_34 : i32 to vector<1x1280xi32>
    %select_n3A_36 = arith.select %gt3A_31, %mul3A_33, %broadcast_in_dim3A_35 : vector<1x1280xi1>, vector<1x1280xi32>
    %eq3A_37 = vector.broadcast %broadcast_in_dim3A_29 : vector<1x1280xi32> to vector<16x1280xi32>
    %eq3A_38 = arith.cmpi eq, %iota3A, %eq3A_37 : vector<16x1280xi32>
    %jit3A_39 = arith.constant -1.000000e+00 : f32
    %broadcast_in_dim3A_40 = vector.broadcast %jit3A_39 : f32 to vector<16x1280xf32>
    %select_n3A_41 = arith.select %eq3A_38, %broadcast_in_dim3A_40, %logistic3A_24 : vector<16x1280xi1>, vector<16x1280xf32>
    %reduce_max3A_42 = arith.constant dense<0xFF800000> : vector<1280xf32>
    %reduce_max3A_43 = vector.multi_reduction <maximumf>, %select_n3A_41, %reduce_max3A_42 [0] : vector<16x1280xf32> to vector<1280xf32>
    %broadcast_in_dim3A_44 = vector.shape_cast %reduce_max3A_43 : vector<1280xf32> to vector<1x1280xf32>
    %eq3A_45 = vector.broadcast %broadcast_in_dim3A_44 : vector<1x1280xf32> to vector<16x1280xf32>
    %eq3A_46 = arith.cmpf oeq, %select_n3A_41, %eq3A_45 : vector<16x1280xf32>
    %jit3A_47 = arith.constant 16 : i32
    %broadcast_in_dim3A_48 = vector.broadcast %jit3A_47 : i32 to vector<16x1280xi32>
    %select_n3A_49 = arith.select %eq3A_46, %iota3A, %broadcast_in_dim3A_48 : vector<16x1280xi1>, vector<16x1280xi32>
    %reduce_min3A_50 = arith.constant dense<2147483647> : vector<1280xi32>
    %reduce_min3A_51 = vector.multi_reduction <minsi>, %select_n3A_49, %reduce_min3A_50 [0] : vector<16x1280xi32> to vector<1280xi32>
    %broadcast_in_dim3A_52 = vector.shape_cast %reduce_min3A_51 : vector<1280xi32> to vector<1x1280xi32>
    %gt3A_53 = arith.constant 5.000000e-01 : f32
    %gt3A_54 = vector.broadcast %gt3A_53 : f32 to vector<1x1280xf32>
    %gt3A_55 = arith.cmpf ogt, %broadcast_in_dim3A_44, %gt3A_54 : vector<1x1280xf32>
    %mul3A_56 = arith.constant 4 : i32
    %mul3A_57 = vector.broadcast %mul3A_56 : i32 to vector<1x1280xi32>
    %mul3A_58 = arith.muli %mul3A_57, %broadcast_in_dim3A_52 : vector<1x1280xi32>
    %jit3A_59 = arith.constant -1 : i32
    %broadcast_in_dim3A_60 = vector.broadcast %jit3A_59 : i32 to vector<1x1280xi32>
    %select_n3A_61 = arith.select %gt3A_55, %mul3A_58, %broadcast_in_dim3A_60 : vector<1x1280xi1>, vector<1x1280xi32>
    %eq3A_62 = vector.broadcast %broadcast_in_dim3A_52 : vector<1x1280xi32> to vector<16x1280xi32>
    %eq3A_63 = arith.cmpi eq, %iota3A, %eq3A_62 : vector<16x1280xi32>
    %jit3A_64 = arith.constant -1.000000e+00 : f32
    %broadcast_in_dim3A_65 = vector.broadcast %jit3A_64 : f32 to vector<16x1280xf32>
    %select_n3A_66 = arith.select %eq3A_63, %broadcast_in_dim3A_65, %select_n3A_41 : vector<16x1280xi1>, vector<16x1280xf32>
    %reduce_max3A_67 = arith.constant dense<0xFF800000> : vector<1280xf32>
    %reduce_max3A_68 = vector.multi_reduction <maximumf>, %select_n3A_66, %reduce_max3A_67 [0] : vector<16x1280xf32> to vector<1280xf32>
    %broadcast_in_dim3A_69 = vector.shape_cast %reduce_max3A_68 : vector<1280xf32> to vector<1x1280xf32>
    %eq3A_70 = vector.broadcast %broadcast_in_dim3A_69 : vector<1x1280xf32> to vector<16x1280xf32>
    %eq3A_71 = arith.cmpf oeq, %select_n3A_66, %eq3A_70 : vector<16x1280xf32>
    %jit3A_72 = arith.constant 16 : i32
    %broadcast_in_dim3A_73 = vector.broadcast %jit3A_72 : i32 to vector<16x1280xi32>
    %select_n3A_74 = arith.select %eq3A_71, %iota3A, %broadcast_in_dim3A_73 : vector<16x1280xi1>, vector<16x1280xi32>
    %reduce_min3A_75 = arith.constant dense<2147483647> : vector<1280xi32>
    %reduce_min3A_76 = vector.multi_reduction <minsi>, %select_n3A_74, %reduce_min3A_75 [0] : vector<16x1280xi32> to vector<1280xi32>
    %broadcast_in_dim3A_77 = vector.shape_cast %reduce_min3A_76 : vector<1280xi32> to vector<1x1280xi32>
    %gt3A_78 = arith.constant 5.000000e-01 : f32
    %gt3A_79 = vector.broadcast %gt3A_78 : f32 to vector<1x1280xf32>
    %gt3A_80 = arith.cmpf ogt, %broadcast_in_dim3A_69, %gt3A_79 : vector<1x1280xf32>
    %mul3A_81 = arith.constant 4 : i32
    %mul3A_82 = vector.broadcast %mul3A_81 : i32 to vector<1x1280xi32>
    %mul3A_83 = arith.muli %mul3A_82, %broadcast_in_dim3A_77 : vector<1x1280xi32>
    %jit3A_84 = arith.constant -1 : i32
    %broadcast_in_dim3A_85 = vector.broadcast %jit3A_84 : i32 to vector<1x1280xi32>
    %select_n3A_86 = arith.select %gt3A_80, %mul3A_83, %broadcast_in_dim3A_85 : vector<1x1280xi1>, vector<1x1280xi32>
    %eq3A_87 = vector.broadcast %broadcast_in_dim3A_77 : vector<1x1280xi32> to vector<16x1280xi32>
    %eq3A_88 = arith.cmpi eq, %iota3A, %eq3A_87 : vector<16x1280xi32>
    %jit3A_89 = arith.constant -1.000000e+00 : f32
    %broadcast_in_dim3A_90 = vector.broadcast %jit3A_89 : f32 to vector<16x1280xf32>
    %select_n3A_91 = arith.select %eq3A_88, %broadcast_in_dim3A_90, %select_n3A_66 : vector<16x1280xi1>, vector<16x1280xf32>
    %reduce_max3A_92 = arith.constant dense<0xFF800000> : vector<1280xf32>
    %reduce_max3A_93 = vector.multi_reduction <maximumf>, %select_n3A_91, %reduce_max3A_92 [0] : vector<16x1280xf32> to vector<1280xf32>
    %broadcast_in_dim3A_94 = vector.shape_cast %reduce_max3A_93 : vector<1280xf32> to vector<1x1280xf32>
    %eq3A_95 = vector.broadcast %broadcast_in_dim3A_94 : vector<1x1280xf32> to vector<16x1280xf32>
    %eq3A_96 = arith.cmpf oeq, %select_n3A_91, %eq3A_95 : vector<16x1280xf32>
    %jit3A_97 = arith.constant 16 : i32
    %broadcast_in_dim3A_98 = vector.broadcast %jit3A_97 : i32 to vector<16x1280xi32>
    %select_n3A_99 = arith.select %eq3A_96, %iota3A, %broadcast_in_dim3A_98 : vector<16x1280xi1>, vector<16x1280xi32>
    %reduce_min3A_100 = arith.constant dense<2147483647> : vector<1280xi32>
    %reduce_min3A_101 = vector.multi_reduction <minsi>, %select_n3A_99, %reduce_min3A_100 [0] : vector<16x1280xi32> to vector<1280xi32>
    %broadcast_in_dim3A_102 = vector.shape_cast %reduce_min3A_101 : vector<1280xi32> to vector<1x1280xi32>
    %gt3A_103 = arith.constant 5.000000e-01 : f32
    %gt3A_104 = vector.broadcast %gt3A_103 : f32 to vector<1x1280xf32>
    %gt3A_105 = arith.cmpf ogt, %broadcast_in_dim3A_94, %gt3A_104 : vector<1x1280xf32>
    %mul3A_106 = arith.constant 4 : i32
    %mul3A_107 = vector.broadcast %mul3A_106 : i32 to vector<1x1280xi32>
    %mul3A_108 = arith.muli %mul3A_107, %broadcast_in_dim3A_102 : vector<1x1280xi32>
    %jit3A_109 = arith.constant -1 : i32
    %broadcast_in_dim3A_110 = vector.broadcast %jit3A_109 : i32 to vector<1x1280xi32>
    %select_n3A_111 = arith.select %gt3A_105, %mul3A_108, %broadcast_in_dim3A_110 : vector<1x1280xi1>, vector<1x1280xi32>
    %eq3A_112 = vector.broadcast %broadcast_in_dim3A_102 : vector<1x1280xi32> to vector<16x1280xi32>
    %eq3A_113 = arith.cmpi eq, %iota3A, %eq3A_112 : vector<16x1280xi32>
    %jit3A_114 = arith.constant -1.000000e+00 : f32
    %broadcast_in_dim3A_115 = vector.broadcast %jit3A_114 : f32 to vector<16x1280xf32>
    %select_n3A_116 = arith.select %eq3A_113, %broadcast_in_dim3A_115, %select_n3A_91 : vector<16x1280xi1>, vector<16x1280xf32>
    %reduce_max3A_117 = arith.constant dense<0xFF800000> : vector<1280xf32>
    %reduce_max3A_118 = vector.multi_reduction <maximumf>, %select_n3A_116, %reduce_max3A_117 [0] : vector<16x1280xf32> to vector<1280xf32>
    %broadcast_in_dim3A_119 = vector.shape_cast %reduce_max3A_118 : vector<1280xf32> to vector<1x1280xf32>
    %eq3A_120 = vector.broadcast %broadcast_in_dim3A_119 : vector<1x1280xf32> to vector<16x1280xf32>
    %eq3A_121 = arith.cmpf oeq, %select_n3A_116, %eq3A_120 : vector<16x1280xf32>
    %jit3A_122 = arith.constant 16 : i32
    %broadcast_in_dim3A_123 = vector.broadcast %jit3A_122 : i32 to vector<16x1280xi32>
    %select_n3A_124 = arith.select %eq3A_121, %iota3A, %broadcast_in_dim3A_123 : vector<16x1280xi1>, vector<16x1280xi32>
    %reduce_min3A_125 = arith.constant dense<2147483647> : vector<1280xi32>
    %reduce_min3A_126 = vector.multi_reduction <minsi>, %select_n3A_124, %reduce_min3A_125 [0] : vector<16x1280xi32> to vector<1280xi32>
    %broadcast_in_dim3A_127 = vector.shape_cast %reduce_min3A_126 : vector<1280xi32> to vector<1x1280xi32>
    %gt3A_128 = arith.constant 5.000000e-01 : f32
    %gt3A_129 = vector.broadcast %gt3A_128 : f32 to vector<1x1280xf32>
    %gt3A_130 = arith.cmpf ogt, %broadcast_in_dim3A_119, %gt3A_129 : vector<1x1280xf32>
    %mul3A_131 = arith.constant 4 : i32
    %mul3A_132 = vector.broadcast %mul3A_131 : i32 to vector<1x1280xi32>
    %mul3A_133 = arith.muli %mul3A_132, %broadcast_in_dim3A_127 : vector<1x1280xi32>
    %jit3A_134 = arith.constant -1 : i32
    %broadcast_in_dim3A_135 = vector.broadcast %jit3A_134 : i32 to vector<1x1280xi32>
    %select_n3A_136 = arith.select %gt3A_130, %mul3A_133, %broadcast_in_dim3A_135 : vector<1x1280xi1>, vector<1x1280xi32>
    %eq3A_137 = vector.broadcast %broadcast_in_dim3A_127 : vector<1x1280xi32> to vector<16x1280xi32>
    %eq3A_138 = arith.cmpi eq, %iota3A, %eq3A_137 : vector<16x1280xi32>
    %jit3A_139 = arith.constant -1.000000e+00 : f32
    %broadcast_in_dim3A_140 = vector.broadcast %jit3A_139 : f32 to vector<16x1280xf32>
    %select_n3A_141 = arith.select %eq3A_138, %broadcast_in_dim3A_140, %select_n3A_116 : vector<16x1280xi1>, vector<16x1280xf32>
    %reduce_max3A_142 = arith.constant dense<0xFF800000> : vector<1280xf32>
    %reduce_max3A_143 = vector.multi_reduction <maximumf>, %select_n3A_141, %reduce_max3A_142 [0] : vector<16x1280xf32> to vector<1280xf32>
    %broadcast_in_dim3A_144 = vector.shape_cast %reduce_max3A_143 : vector<1280xf32> to vector<1x1280xf32>
    %eq3A_145 = vector.broadcast %broadcast_in_dim3A_144 : vector<1x1280xf32> to vector<16x1280xf32>
    %eq3A_146 = arith.cmpf oeq, %select_n3A_141, %eq3A_145 : vector<16x1280xf32>
    %jit3A_147 = arith.constant 16 : i32
    %broadcast_in_dim3A_148 = vector.broadcast %jit3A_147 : i32 to vector<16x1280xi32>
    %select_n3A_149 = arith.select %eq3A_146, %iota3A, %broadcast_in_dim3A_148 : vector<16x1280xi1>, vector<16x1280xi32>
    %reduce_min3A_150 = arith.constant dense<2147483647> : vector<1280xi32>
    %reduce_min3A_151 = vector.multi_reduction <minsi>, %select_n3A_149, %reduce_min3A_150 [0] : vector<16x1280xi32> to vector<1280xi32>
    %broadcast_in_dim3A_152 = vector.shape_cast %reduce_min3A_151 : vector<1280xi32> to vector<1x1280xi32>
    %gt3A_153 = arith.constant 5.000000e-01 : f32
    %gt3A_154 = vector.broadcast %gt3A_153 : f32 to vector<1x1280xf32>
    %gt3A_155 = arith.cmpf ogt, %broadcast_in_dim3A_144, %gt3A_154 : vector<1x1280xf32>
    %mul3A_156 = arith.constant 4 : i32
    %mul3A_157 = vector.broadcast %mul3A_156 : i32 to vector<1x1280xi32>
    %mul3A_158 = arith.muli %mul3A_157, %broadcast_in_dim3A_152 : vector<1x1280xi32>
    %jit3A_159 = arith.constant -1 : i32
    %broadcast_in_dim3A_160 = vector.broadcast %jit3A_159 : i32 to vector<1x1280xi32>
    %select_n3A_161 = arith.select %gt3A_155, %mul3A_158, %broadcast_in_dim3A_160 : vector<1x1280xi1>, vector<1x1280xi32>
    %eq3A_162 = vector.broadcast %broadcast_in_dim3A_152 : vector<1x1280xi32> to vector<16x1280xi32>
    %eq3A_163 = arith.cmpi eq, %iota3A, %eq3A_162 : vector<16x1280xi32>
    %jit3A_164 = arith.constant -1.000000e+00 : f32
    %broadcast_in_dim3A_165 = vector.broadcast %jit3A_164 : f32 to vector<16x1280xf32>
    %select_n3A_166 = arith.select %eq3A_163, %broadcast_in_dim3A_165, %select_n3A_141 : vector<16x1280xi1>, vector<16x1280xf32>
    %reduce_max3A_167 = arith.constant dense<0xFF800000> : vector<1280xf32>
    %reduce_max3A_168 = vector.multi_reduction <maximumf>, %select_n3A_166, %reduce_max3A_167 [0] : vector<16x1280xf32> to vector<1280xf32>
    %broadcast_in_dim3A_169 = vector.shape_cast %reduce_max3A_168 : vector<1280xf32> to vector<1x1280xf32>
    %eq3A_170 = vector.broadcast %broadcast_in_dim3A_169 : vector<1x1280xf32> to vector<16x1280xf32>
    %eq3A_171 = arith.cmpf oeq, %select_n3A_166, %eq3A_170 : vector<16x1280xf32>
    %jit3A_172 = arith.constant 16 : i32
    %broadcast_in_dim3A_173 = vector.broadcast %jit3A_172 : i32 to vector<16x1280xi32>
    %select_n3A_174 = arith.select %eq3A_171, %iota3A, %broadcast_in_dim3A_173 : vector<16x1280xi1>, vector<16x1280xi32>
    %reduce_min3A_175 = arith.constant dense<2147483647> : vector<1280xi32>
    %reduce_min3A_176 = vector.multi_reduction <minsi>, %select_n3A_174, %reduce_min3A_175 [0] : vector<16x1280xi32> to vector<1280xi32>
    %broadcast_in_dim3A_177 = vector.shape_cast %reduce_min3A_176 : vector<1280xi32> to vector<1x1280xi32>
    %gt3A_178 = arith.constant 5.000000e-01 : f32
    %gt3A_179 = vector.broadcast %gt3A_178 : f32 to vector<1x1280xf32>
    %gt3A_180 = arith.cmpf ogt, %broadcast_in_dim3A_169, %gt3A_179 : vector<1x1280xf32>
    %mul3A_181 = arith.constant 4 : i32
    %mul3A_182 = vector.broadcast %mul3A_181 : i32 to vector<1x1280xi32>
    %mul3A_183 = arith.muli %mul3A_182, %broadcast_in_dim3A_177 : vector<1x1280xi32>
    %jit3A_184 = arith.constant -1 : i32
    %broadcast_in_dim3A_185 = vector.broadcast %jit3A_184 : i32 to vector<1x1280xi32>
    %select_n3A_186 = arith.select %gt3A_180, %mul3A_183, %broadcast_in_dim3A_185 : vector<1x1280xi1>, vector<1x1280xi32>
    %eq3A_187 = vector.broadcast %broadcast_in_dim3A_177 : vector<1x1280xi32> to vector<16x1280xi32>
    %eq3A_188 = arith.cmpi eq, %iota3A, %eq3A_187 : vector<16x1280xi32>
    %jit3A_189 = arith.constant -1.000000e+00 : f32
    %broadcast_in_dim3A_190 = vector.broadcast %jit3A_189 : f32 to vector<16x1280xf32>
    %select_n3A_191 = arith.select %eq3A_188, %broadcast_in_dim3A_190, %select_n3A_166 : vector<16x1280xi1>, vector<16x1280xf32>
    %reduce_max3A_192 = arith.constant dense<0xFF800000> : vector<1280xf32>
    %reduce_max3A_193 = vector.multi_reduction <maximumf>, %select_n3A_191, %reduce_max3A_192 [0] : vector<16x1280xf32> to vector<1280xf32>
    %broadcast_in_dim3A_194 = vector.shape_cast %reduce_max3A_193 : vector<1280xf32> to vector<1x1280xf32>
    %eq3A_195 = vector.broadcast %broadcast_in_dim3A_194 : vector<1x1280xf32> to vector<16x1280xf32>
    %eq3A_196 = arith.cmpf oeq, %select_n3A_191, %eq3A_195 : vector<16x1280xf32>
    %jit3A_197 = arith.constant 16 : i32
    %broadcast_in_dim3A_198 = vector.broadcast %jit3A_197 : i32 to vector<16x1280xi32>
    %select_n3A_199 = arith.select %eq3A_196, %iota3A, %broadcast_in_dim3A_198 : vector<16x1280xi1>, vector<16x1280xi32>
    %reduce_min3A_200 = arith.constant dense<2147483647> : vector<1280xi32>
    %reduce_min3A_201 = vector.multi_reduction <minsi>, %select_n3A_199, %reduce_min3A_200 [0] : vector<16x1280xi32> to vector<1280xi32>
    %broadcast_in_dim3A_202 = vector.shape_cast %reduce_min3A_201 : vector<1280xi32> to vector<1x1280xi32>
    %gt3A_203 = arith.constant 5.000000e-01 : f32
    %gt3A_204 = vector.broadcast %gt3A_203 : f32 to vector<1x1280xf32>
    %gt3A_205 = arith.cmpf ogt, %broadcast_in_dim3A_194, %gt3A_204 : vector<1x1280xf32>
    %mul3A_206 = arith.constant 4 : i32
    %mul3A_207 = vector.broadcast %mul3A_206 : i32 to vector<1x1280xi32>
    %mul3A_208 = arith.muli %mul3A_207, %broadcast_in_dim3A_202 : vector<1x1280xi32>
    %jit3A_209 = arith.constant -1 : i32
    %broadcast_in_dim3A_210 = vector.broadcast %jit3A_209 : i32 to vector<1x1280xi32>
    %select_n3A_211 = arith.select %gt3A_205, %mul3A_208, %broadcast_in_dim3A_210 : vector<1x1280xi1>, vector<1x1280xi32>
    %eq3A_212 = vector.broadcast %broadcast_in_dim3A_202 : vector<1x1280xi32> to vector<16x1280xi32>
    %eq3A_213 = arith.cmpi eq, %iota3A, %eq3A_212 : vector<16x1280xi32>
    %jit3A_214 = arith.constant -1.000000e+00 : f32
    %broadcast_in_dim3A_215 = vector.broadcast %jit3A_214 : f32 to vector<16x1280xf32>
    %select_n3A_216 = arith.select %eq3A_213, %broadcast_in_dim3A_215, %select_n3A_191 : vector<16x1280xi1>, vector<16x1280xf32>
    %reduce_max3A_217 = arith.constant dense<0xFF800000> : vector<1280xf32>
    %reduce_max3A_218 = vector.multi_reduction <maximumf>, %select_n3A_216, %reduce_max3A_217 [0] : vector<16x1280xf32> to vector<1280xf32>
    %broadcast_in_dim3A_219 = vector.shape_cast %reduce_max3A_218 : vector<1280xf32> to vector<1x1280xf32>
    %eq3A_220 = vector.broadcast %broadcast_in_dim3A_219 : vector<1x1280xf32> to vector<16x1280xf32>
    %eq3A_221 = arith.cmpf oeq, %select_n3A_216, %eq3A_220 : vector<16x1280xf32>
    %jit3A_222 = arith.constant 16 : i32
    %broadcast_in_dim3A_223 = vector.broadcast %jit3A_222 : i32 to vector<16x1280xi32>
    %select_n3A_224 = arith.select %eq3A_221, %iota3A, %broadcast_in_dim3A_223 : vector<16x1280xi1>, vector<16x1280xi32>
    %reduce_min3A_225 = arith.constant dense<2147483647> : vector<1280xi32>
    %reduce_min3A_226 = vector.multi_reduction <minsi>, %select_n3A_224, %reduce_min3A_225 [0] : vector<16x1280xi32> to vector<1280xi32>
    %broadcast_in_dim3A_227 = vector.shape_cast %reduce_min3A_226 : vector<1280xi32> to vector<1x1280xi32>
    %gt3A_228 = arith.constant 5.000000e-01 : f32
    %gt3A_229 = vector.broadcast %gt3A_228 : f32 to vector<1x1280xf32>
    %gt3A_230 = arith.cmpf ogt, %broadcast_in_dim3A_219, %gt3A_229 : vector<1x1280xf32>
    %mul3A_231 = arith.constant 4 : i32
    %mul3A_232 = vector.broadcast %mul3A_231 : i32 to vector<1x1280xi32>
    %mul3A_233 = arith.muli %mul3A_232, %broadcast_in_dim3A_227 : vector<1x1280xi32>
    %jit3A_234 = arith.constant -1 : i32
    %broadcast_in_dim3A_235 = vector.broadcast %jit3A_234 : i32 to vector<1x1280xi32>
    %select_n3A_236 = arith.select %gt3A_230, %mul3A_233, %broadcast_in_dim3A_235 : vector<1x1280xi1>, vector<1x1280xi32>
    %eq3A_237 = vector.broadcast %broadcast_in_dim3A_227 : vector<1x1280xi32> to vector<16x1280xi32>
    %eq3A_238 = arith.cmpi eq, %iota3A, %eq3A_237 : vector<16x1280xi32>
    %jit3A_239 = arith.constant -1.000000e+00 : f32
    %broadcast_in_dim3A_240 = vector.broadcast %jit3A_239 : f32 to vector<16x1280xf32>
    %select_n3A_241 = arith.select %eq3A_238, %broadcast_in_dim3A_240, %select_n3A_216 : vector<16x1280xi1>, vector<16x1280xf32>
    %reduce_max3A_242 = arith.constant dense<0xFF800000> : vector<1280xf32>
    %reduce_max3A_243 = vector.multi_reduction <maximumf>, %select_n3A_241, %reduce_max3A_242 [0] : vector<16x1280xf32> to vector<1280xf32>
    %broadcast_in_dim3A_244 = vector.shape_cast %reduce_max3A_243 : vector<1280xf32> to vector<1x1280xf32>
    %eq3A_245 = vector.broadcast %broadcast_in_dim3A_244 : vector<1x1280xf32> to vector<16x1280xf32>
    %eq3A_246 = arith.cmpf oeq, %select_n3A_241, %eq3A_245 : vector<16x1280xf32>
    %jit3A_247 = arith.constant 16 : i32
    %broadcast_in_dim3A_248 = vector.broadcast %jit3A_247 : i32 to vector<16x1280xi32>
    %select_n3A_249 = arith.select %eq3A_246, %iota3A, %broadcast_in_dim3A_248 : vector<16x1280xi1>, vector<16x1280xi32>
    %reduce_min3A_250 = arith.constant dense<2147483647> : vector<1280xi32>
    %reduce_min3A_251 = vector.multi_reduction <minsi>, %select_n3A_249, %reduce_min3A_250 [0] : vector<16x1280xi32> to vector<1280xi32>
    %broadcast_in_dim3A_252 = vector.shape_cast %reduce_min3A_251 : vector<1280xi32> to vector<1x1280xi32>
    %gt3A_253 = arith.constant 5.000000e-01 : f32
    %gt3A_254 = vector.broadcast %gt3A_253 : f32 to vector<1x1280xf32>
    %gt3A_255 = arith.cmpf ogt, %broadcast_in_dim3A_244, %gt3A_254 : vector<1x1280xf32>
    %mul3A_256 = arith.constant 4 : i32
    %mul3A_257 = vector.broadcast %mul3A_256 : i32 to vector<1x1280xi32>
    %mul3A_258 = arith.muli %mul3A_257, %broadcast_in_dim3A_252 : vector<1x1280xi32>
    %jit3A_259 = arith.constant -1 : i32
    %broadcast_in_dim3A_260 = vector.broadcast %jit3A_259 : i32 to vector<1x1280xi32>
    %select_n3A_261 = arith.select %gt3A_255, %mul3A_258, %broadcast_in_dim3A_260 : vector<1x1280xi1>, vector<1x1280xi32>
    %broadcast_in_dim3A_262 = arith.constant 0.000000e+00 : f32
    %broadcast_in_dim3A_263 = vector.broadcast %broadcast_in_dim3A_262 : f32 to vector<6x1280xf32>
    %broadcast_in_dim3A_264 = arith.constant -1 : i32
    %broadcast_in_dim3A_265 = vector.broadcast %broadcast_in_dim3A_264 : i32 to vector<6x1280xi32>
    %slice3A = vector.extract_strided_slice %add3A_9 {offsets = [0, 0], sizes = [640, 64], strides = [1, 1]} : vector<1280x64xf32> to vector<640x64xf32>
    %swap3A = arith.constant 0 : index
    %swap3A_266 = arith.constant 0 : index
    %swap3A_267 = vector.load %arg6[%swap3A, %swap3A_266] : memref<640x128xf32, #tpu.memory_space<vmem>>, vector<640x64xf32>
    tpu.vector_store %arg6[%swap3A, %swap3A_266], %slice3A {strides = array<i32>} : memref<640x128xf32, #tpu.memory_space<vmem>>, vector<640x64xf32>,
    %slice3A_268 = vector.extract_strided_slice %add3A_9 {offsets = [640, 0], sizes = [640, 64], strides = [1, 1]} : vector<1280x64xf32> to vector<640x64xf32>
    %swap3A_269 = arith.constant 0 : index
    %swap3A_270 = arith.constant 64 : index
    %swap3A_271 = vector.load %arg6[%swap3A_269, %swap3A_270] : memref<640x128xf32, #tpu.memory_space<vmem>>, vector<640x64xf32>
    tpu.vector_store %arg6[%swap3A_269, %swap3A_270], %slice3A_268 {strides = array<i32>} : memref<640x128xf32, #tpu.memory_space<vmem>>, vector<640x64xf32>,
    %concatenate3A = tpu.concatenate %select_n3A_36, %select_n3A_61, %select_n3A_86, %select_n3A_111, %select_n3A_136, %select_n3A_161, %select_n3A_186, %select_n3A_211, %select_n3A_236, %select_n3A_261, %broadcast_in_dim3A_265 in 0 : vector<1x1280xi32>, vector<1x1280xi32>, vector<1x1280xi32>, vector<1x1280xi32>, vector<1x1280xi32>, vector<1x1280xi32>, vector<1x1280xi32>, vector<1x1280xi32>, vector<1x1280xi32>, vector<1x1280xi32>, vector<6x1280xi32> -> vector<16x1280xi32>
    %swap3A_272 = arith.constant 0 : index
    %swap3A_273 = arith.constant 0 : index
    %swap3A_274 = vector.load %arg7[%swap3A_272, %swap3A_273] : memref<16x1280xi32, #tpu.memory_space<vmem>>, vector<16x1280xi32>
    tpu.vector_store %arg7[%swap3A_272, %swap3A_273], %concatenate3A {strides = array<i32>} : memref<16x1280xi32, #tpu.memory_space<vmem>>, vector<16x1280xi32>,
    %concatenate3A_275 = tpu.concatenate %broadcast_in_dim3A, %broadcast_in_dim3A_44, %broadcast_in_dim3A_69, %broadcast_in_dim3A_94, %broadcast_in_dim3A_119, %broadcast_in_dim3A_144, %broadcast_in_dim3A_169, %broadcast_in_dim3A_194, %broadcast_in_dim3A_219, %broadcast_in_dim3A_244, %broadcast_in_dim3A_263 in 0 : vector<1x1280xf32>, vector<1x1280xf32>, vector<1x1280xf32>, vector<1x1280xf32>, vector<1x1280xf32>, vector<1x1280xf32>, vector<1x1280xf32>, vector<1x1280xf32>, vector<1x1280xf32>, vector<1x1280xf32>, vector<6x1280xf32> -> vector<16x1280xf32>
    %swap3A_276 = arith.constant 0 : index
    %swap3A_277 = arith.constant 0 : index
    %swap3A_278 = vector.load %arg8[%swap3A_276, %swap3A_277] : memref<16x1280xf32, #tpu.memory_space<vmem>>, vector<16x1280xf32>
    tpu.vector_store %arg8[%swap3A_276, %swap3A_277], %concatenate3A_275 {strides = array<i32>} : memref<16x1280xf32, #tpu.memory_space<vmem>>, vector<16x1280xf32>,
    return
  }
  func.func @transform_0(%arg0: i32) -> (i32, i32) {
    %c0_i32 = arith.constant 0 : i32
    %c0_i32_0 = arith.constant 0 : i32
    return %arg0, %c0_i32 : i32, i32
  }
  func.func @transform_1(%arg0: i32) -> (i32, i32) {
    %c0_i32 = arith.constant 0 : i32
    %c0_i32_0 = arith.constant 0 : i32
    %c0_i32_1 = arith.constant 0 : i32
    return %c0_i32, %c0_i32_0 : i32, i32
  }
  func.func @transform_2(%arg0: i32) -> (i32, i32) {
    %c0_i32 = arith.constant 0 : i32
    %c0_i32_0 = arith.constant 0 : i32
    %c0_i32_1 = arith.constant 0 : i32
    return %c0_i32, %c0_i32_0 : i32, i32
  }
  func.func @transform_3(%arg0: i32) -> (i32, i32) {
    %c0_i32 = arith.constant 0 : i32
    %c0_i32_0 = arith.constant 0 : i32
    %c0_i32_1 = arith.constant 0 : i32
    return %c0_i32, %c0_i32_0 : i32, i32
  }
  func.func @transform_4(%arg0: i32) -> (i32, i32) {
    %c0_i32 = arith.constant 0 : i32
    %c0_i32_0 = arith.constant 0 : i32
    %c0_i32_1 = arith.constant 0 : i32
    return %c0_i32, %c0_i32_0 : i32, i32
  }
  func.func @transform_5(%arg0: i32) -> (i32, i32) {
    %c0_i32 = arith.constant 0 : i32
    %c0_i32_0 = arith.constant 0 : i32
    return %arg0, %c0_i32 : i32, i32
  }
  func.func @transform_6(%arg0: i32) -> (i32, i32) {
    %c0_i32 = arith.constant 0 : i32
    %c0_i32_0 = arith.constant 0 : i32
    return %c0_i32, %arg0 : i32, i32
  }
  func.func @transform_7(%arg0: i32) -> (i32, i32) {
    %c0_i32 = arith.constant 0 : i32
    %c0_i32_0 = arith.constant 0 : i32
    return %c0_i32, %arg0 : i32, i32
  }
}

</mosaic_0001>

<sc_bundles>
// kernel: kernel.4.cloned.1.call-start
scs
__scs_entry_jumppad:
0x0: {  	(pc) =	sbr.rel $0x88, $3  }
0x1: {  	(tag) =	ssettag $0x0;
	lr =	simm.s32 $0x1  }
0x2: {  	[smem:$0x3F9C] =	sst lr;
	_ =	strace $0xD0000000  }
0x3: {  	_ = 	snop  }
0x4: {  	_ = 	snop  }
0x5: {  	_ = 	snop  }
0x6: {  	_ = 	snop  }
0x7: {  	_ = 	snop  }
__scs_overlays_trampoline_lowered:
0x8: {  	[smem:$0x3FAB] =	sst s0  }
0x9: {  	[smem:$0x3FAC] =	sst s1  }
0xa: {  	[smem:$0x3FAD] =	sst s2  }
0xb: {  	[smem:$0x3FAE] =	sst s3  }
0xc: {  	[smem:$0x3FAF] =	sst s4  }
0xd: {  	[smem:$0x3FB0] =	sst s5  }
0xe: {  	[smem:$0x3FB1] =	sst s6  }
0xf: {  	[smem:$0x3FB2] =	sst s7  }
0x10: {  	[smem:$0x3FB3] =	sst s8  }
0x11: {  	[smem:$0x3FB4] =	sst s9;
	s0 =	simm.s32 @!p0 $0x0  }
0x12: {  	s1 =	sld [smem:$0x3F9A];
	s0 =	simm.s32 @p0 $0x1  }
0x13: {  	[smem:$0x3FB5] =	sst s0;
	s0 =	simm.s32 @!p1 $0x0  }
0x14: {  	s2 =	sld [smem:$0x3F99];
	s0 =	simm.s32 @p1 $0x1  }
0x15: {  	[smem:$0x3FB6] =	sst s0;
	s0 =	simm.s32 @!p2 $0x0  }
0x16: {  	s3 =	sld [smem:$0x3FDB];
	s0 =	simm.s32 @p2 $0x1  }
0x17: {  	s4 =	simm.s32 $0x1BF5;
	[smem:$0x3FB8] =	sst s0  }
0x18: {  	s0 =	sld [smem:$0x3F9B];
	_ =	swait.ge [sflag:s4], $0x0  }
0x19: {  	s7 =	sld [smem:$0x3F9C]  }
0x1a: {  	s8 =	sadd.s32 $0xFFFFE003, lr  }
0x1b: {  	s9 =	sadd.s32 $0xFFFFFEF7, lr;
	s5 =	simm.s32 $0xFFFFFFFF;
	p2 =	slt.u32 s8, $0xFFFFF086  }
0x1c: {  	p1 =	slt.u32 s9, $0xF7A;
	s5 =	simm.s32 @!p2 $0x0  }
0x1d: {  	s5 =	simm.s32 @p1 $0x1;
	p0 =	seq.s32 s7, s2  }
0x1e: {  	s7 =	smul.u32 @!p0 $0xF7A, s2;
	p2 =	seq.s32 @!p0 s5, $0x0  }
0x1f: {  	s9 =	smul.u32 $0xF7A, s1;
	s8 =	simm.s32 @!p0 $0x1BF5;
	p2 =	por !p2, p0  }
0x20: {  	[sflag:s8] =	ssyncset.s32 @!p0 $0xFFFFF086;
	s6 =	sadd.s32 @!p0 s3, s7;
	s7 =	simm.s32 @!p0 $0x108  }
0x21: {  	s3 =	sadd.s32 s3, s9;
	s6 =	sadd.s32 @!p0 $0x88, s6;
	s7 =	simm.s32 @p2 $0x1082  }
0x22: {  	[simem:s7], [sflag:s8] =	dma.local @!p0 [hbm:s6], $0xF7A  }
0x23: {  	s9 =	sor.u32 $0xD0000000, s2;
	s6 =	simm.s32 $0x108;
	_ =	swait.ge @!p0 [sflag:s8], $0x0  }
0x24: {  	s3 =	sadd.s32 $0x88, s3;
	s6 =	simm.s32 @!p1 $0x1082;
	[sflag:s4] =	ssyncset.s32 $0xFFFFF086  }
0x25: {  	[simem:s6], [sflag:s4] =	dma.local [hbm:s3], $0xF7A  }
0x26: {  	[smem:$0x3F9C] =	sst s1;
	(tag) =	ssettag s2;
	_ =	strace s9  }
0x27: {  	s1 =	sld [smem:$0x3FAC]  }
0x28: {  	s2 =	sld [smem:$0x3FAD]  }
0x29: {  	s4 =	sld [smem:$0x3FAF]  }
0x2a: {  	p0 =	seq.s32 s5, $0x0;
	s5 =	sld [smem:$0x3FB0]  }
0x2b: {  	s6 =	sld [smem:$0x3FB1]  }
0x2c: {  	s7 =	sld [smem:$0x3FB2]  }
0x2d: {  	s3 =	simm.s32 $0x108;
	s8 =	sld [smem:$0x3FB3]  }
0x2e: {  	s3 =	simm.s32 @!p0 $0x1082;
	s9 =	sld [smem:$0x3FB4]  }
0x2f: {  	lr =	sadd.s32 s0, s3;
	s0 =	sld [smem:$0x3FAB]  }
0x30: {  	s3 =	sld [smem:$0x3FAE]  }
0x31: {  	[smem:$0x3FB7] =	sst s10  }
0x32: {  	s10 =	sld [smem:$0x3FB5];
	_ =	sdelay $0x3  }
0x33: {  	p0 =	seq.s32 s10, $0x1;
	s10 =	sld [smem:$0x3FB7];
	_ =	sdelay $0x3  }
0x34: {  	[smem:$0x3FB7] =	sst s10  }
0x35: {  	s10 =	sld [smem:$0x3FB6];
	_ =	sdelay $0x3  }
0x36: {  	p1 =	seq.s32 s10, $0x1;
	s10 =	sld [smem:$0x3FB7];
	_ =	sdelay $0x3  }
0x37: {  	[smem:$0x3FB7] =	sst s10  }
0x38: {  	s10 =	sld [smem:$0x3FB8]  }
0x39: {  	_ = 	snop;
	(pc) =	sbr.ind lr, $3  }
0x3a: {  	_ = 	snop  }
0x3b: {  	_ = 	snop  }
0x3c: {  	p2 =	seq.s32 s10, $0x1;
	s10 =	sld [smem:$0x3FB7]  }
0x3d: {  	_ =	shalt  }
0x3e: {  	_ =	shalt  }
0x3f: {  	_ =	shalt  }
0x40: {  	_ =	shalt  }
0x41: {  	_ =	shalt  }
0x42: {  	_ =	shalt  }
0x43: {  	_ =	shalt  }
0x44: {  	_ =	shalt  }
0x45: {  	_ =	shalt  }
0x46: {  	_ =	shalt  }
0x47: {  	_ =	shalt  }
0x48: {  	_ =	shalt  }
0x49: {  	_ =	shalt  }
0x4a: {  	_ =	shalt  }
0x4b: {  	_ =	shalt  }
0x4c: {  	_ =	shalt  }
0x4d: {  	_ =	shalt  }
0x4e: {  	_ =	shalt  }
0x4f: {  	_ =	shalt  }
0x50: {  	_ =	shalt  }
0x51: {  	_ =	shalt  }
0x52: {  	_ =	shalt  }
0x53: {  	_ =	shalt  }
0x54: {  	_ =	shalt  }
0x55: {  	_ =	shalt  }
0x56: {  	_ =	shalt  }
0x57: {  	_ =	shalt  }
0x58: {  	_ =	shalt  }
0x59: {  	_ =	shalt  }
0x5a: {  	_ =	shalt  }
0x5b: {  	_ =	shalt  }
0x5c: {  	_ =	shalt  }
0x5d: {  	_ =	shalt  }
0x5e: {  	_ =	shalt  }
0x5f: {  	_ =	shalt  }
0x60: {  	_ =	shalt  }
0x61: {  	_ =	shalt  }
0x62: {  	_ =	shalt  }
0x63: {  	_ =	shalt  }
0x64: {  	_ =	shalt  }
0x65: {  	_ =	shalt  }
0x66: {  	_ =	shalt  }
0x67: {  	_ =	shalt  }
0x68: {  	_ =	shalt  }
0x69: {  	_ =	shalt  }
0x6a: {  	_ =	shalt  }
0x6b: {  	_ =	shalt  }
0x6c: {  	_ =	shalt  }
0x6d: {  	_ =	shalt  }
0x6e: {  	_ =	shalt  }
0x6f: {  	_ =	shalt  }
0x70: {  	_ =	shalt  }
0x71: {  	_ =	shalt  }
0x72: {  	_ =	shalt  }
0x73: {  	_ =	shalt  }
0x74: {  	_ =	shalt  }
0x75: {  	_ =	shalt  }
0x76: {  	_ =	shalt  }
0x77: {  	_ =	shalt  }
0x78: {  	_ =	shalt  }
0x79: {  	_ =	shalt  }
0x7a: {  	_ =	shalt  }
0x7b: {  	_ =	shalt  }
0x7c: {  	_ =	shalt  }
0x7d: {  	_ =	shalt  }
0x7e: {  	_ =	shalt  }
0x7f: {  	_ =	shalt  }
0x80: {  	_ =	shalt  }
0x81: {  	_ =	shalt  }
0x82: {  	_ =	shalt  }
0x83: {  	_ =	shalt  }
0x84: {  	_ =	shalt  }
0x85: {  	_ =	shalt  }
0x86: {  	_ =	shalt  }
0x87: {  	_ =	shalt  }
.Lfunc_end0:
.L_simem_size_0:
called_computation_lowered:
.L_overlay_start_0:
0x88: {  	s2 =	sld [smem:$0x3FD9]  }
0x89: {  	s3 =	sld [smem:$0x3FFE];
	_ =	sdelay $0x1  }
0x8a: {  	s1 =	srdreg.scid  }
0x8b: {  	s0 =	sand.u32 $0x1, s1  }
0x8c: {  	s14 =	sshll.u32 s0, $0xA;
	s2 =	sadd.s32 s3, s2  }
0x8d: {  	s2 =	sadd.s32 s2, s14  }
0x8e: {  	[smem:$0x3FC3] =	sst s2  }
0x8f: {  	_ = 	snop  }
0x90: {  	s2 =	sld [smem:$0x3FD0];
	_ =	sdelay $0x2  }
0x91: {  	s15 =	simm.s32 $0xA;
	s4 =	simm.s32 $0x10  }
0x92: {  	[smem:s4], [sflag:s15] =	dma.local [hbm:s2], $0x1  }
0x93: {  	_ =	swait.eq [sflag:s15], $0x1  }
0x94: {  	[sflag:s15] =	ssyncset.done $0x0  }
0x95: {  	s16 =	sld [smem:$0x10];
	[sflag:s15] =	ssyncadd.s32 $0xFFFFFFFF  }
0x96: {  	s17 =	sld [smem:$0x11];
	(tm) =	ssettm $0x1  }
0x97: {  	s18 =	sld [smem:$0x3FFB];
	_ =	sdelay $0x3  }
0x98: {  	_ =	strace s18  }
0x99: {  	s4 =	sld [smem:$0x3FFC];
	_ =	sdelay $0x3  }
0x9a: {  	_ =	strace s4  }
0x9b: {  	s4 =	sld [smem:$0x3FFD];
	_ =	sdelay $0x3  }
0x9c: {  	_ =	strace s4  }
0x9d: {  	_ =	strace $0x8FFFFFFF  }
0x9e: {  	s19 =	sld [smem:$0x3FDB];
	_ =	sdelay $0x1  }
0x9f: {  	s5 =	simm.s32 $_scs_section_size  }
0xa0: {  	s6 =	simm.s32 $_size__tile_overlayer_lowered;
	s7 =	simm.s32 $_tile_overlayer_lowered  }
0xa1: {  	s22 =	simm.s32 $0x1BFF;
	s21 =	sshll.u32 s7, $0x1;
	s4 =	sadd.s32 s5, s19  }
0xa2: {  	s8 =	simm.s32 $0x0;
	s20 =	sshll.u32 s6, $0x1;
	s6 =	sadd.s32 s21, s4  }
0xa3: {  	[timem:s8], [sflag:s22] =	dma.local [hbm:s6], s20  }
0xa4: {  	_ =	swait.ge [sflag:s22], s20  }
0xa5: {  	s5 =	ssub.s32 $0x0, s20;
	[sflag:s22] =	ssyncset.done $0x0  }
0xa6: {  	[sflag:s22] =	ssyncadd.s32 s5;
	_ =	sdelay $0x1  }
0xa7: {  	s23 =	simm.s32 $0x1B8B  }
0xa8: {  	_ =	swait.ge [sflag:s23], $0x1  }
0xa9: {  	[sflag:s23] =	ssyncset.done $0x0  }
0xaa: {  	s25 =	simm.s32 $0x1B8E;
	s24 =	sld [smem:$0x3FFE];
	[sflag:s23] =	ssyncadd.s32 $0xFFFFFFFF  }
0xab: {  	s26 =	simm.s32 $execute0_lowered;
	[smem:$0x3FD2] =	sst s25  }
0xac: {  	s6 =	sshll.u32 s26, $0x1;
	_ =	strace $0x80000046;
	[dreg:$0x1] =	wrdreg $0xFFFFFFFF  }
0xad: {  	s28 =	simm.s32 $_size_execute0_lowered;
	s4 =	sadd.s32 s4, s6;
	[dreg:$0x0] =	wrdreg $0x0  }
0xae: {  	s6 =	sshll.u32 s28, $0x1;
	[dreg:$0x2] =	wrdreg s4  }
0xaf: {  	[dreg:$0x3] =	wrdreg s6  }
0xb0: {  	[dreg:$0x4] =	wrdreg $0xC0  }
0xb1: {  	_ =	task [dreg:s8], $0x5FFFF  }
0xb2: {  	[dreg:$0x1] =	wrdreg $0xFFFFFFFF  }
0xb3: {  	[dreg:$0x0] =	wrdreg $0x60  }
0xb4: {  	[dreg:$0x2] =	wrdreg s24  }
0xb5: {  	[dreg:$0x3] =	wrdreg s16  }
0xb6: {  	[dreg:$0x4] =	wrdreg s17  }
0xb7: {  	[dreg:$0x5] =	wrdreg $0x9  }
0xb8: {  	_ =	task.clear_ibuf [dreg:s8], $0x6FFFF;
	_ =	strace $0x90000046  }
0xb9: {  	s29 =	simm.s32 $0x9;
	_ =	strace $0x80000048  }
0xba: {  	_ =	swait.ge [sflag:s29], $0x1  }
0xbb: {  	[sflag:s29] =	ssyncadd.s32 $0xFFFFFFFF  }
0xbc: {  	_ =	strace $0x90000048  }
0xbd: {  	_ =	sfence  }
0xbe: {  	s30 =	sld [smem:$0x0];
	_ =	sdelay $0x2  }
0xbf: {  	s31 =	sshll.u32 s1, $0xD;
	s1 =	sshrl.u32 s1, $0x2  }
0xc0: {  	s3 =	sand.u32 $0x4000, s31;
	s1 =	sadd.s32 s1, s30  }
0xc1: {  	s0 =	sor.u32 s3, s0;
	s1 =	sshll.u32 s1, $0x11  }
0xc2: {  	s0 =	sor.u32 s1, s0  }
0xc3: {  	s0 =	sadd.s32 $0x8F2B, s0  }
0xc4: {  	[sflag:s0] =	ssyncadd.remote.s32 $0x1  }
0xc5: {  	_ =	sfence.sel $0xFFFF  }
0xc6: {  	[dreg:$0x0] =	wrdreg $0xFFFFFFFF;
	(pc) =	sbr.abs _section_cstart, $3  }
0xc7: {  	[dreg:$0x1] =	wrdreg $0xFFFFFFFF  }
0xc8: {  	_ =	task.clear_ibuf [dreg:s8], $0x2FFFF;
	_ =	strace $0x9FFFFFFF  }
0xc9: {  	(tm) =	ssettm $0x7FFFFFFF  }
tec
execute0_lowered:
.L_overlay_start_1:
0x0: {  	(tag) =	ssettag $0x1  }
0x1: {  	v0 =	vimm.s32 $0x1780;
	vm0 =	vcmask $0x300  }
0x2: {  	vm14 =	vcmask $0x704;
	v0 =	vsel vm0, $0x0, v0  }
0x3: {  	vm15 =	vcmask $0xB08;
	v0 =	vsel vm14, $0x80, v0  }
0x4: {  	vm4 =	vcmask $0xF0C;
	v0 =	vsel vm15, $0x100, v0  }
0x5: {  	s8 =	rddreg [dreg:$0x0];
	vm5 =	vcmask $0x1310;
	v0 =	vsel vm4, $0x180, v0  }
0x6: {  	s1 =	rddreg [dreg:$0x1];
	vm6 =	vcmask $0x1714;
	v0 =	vsel vm5, $0x200, v0  }
0x7: {  	s2 =	rddreg [dreg:$0x2];
	vm7 =	vcmask $0x1B18;
	v0 =	vsel vm6, $0x280, v0  }
0x8: {  	s0 =	rddreg [dreg:$0x3];
	s3 =	simm.s32 $0x0;
	vm8 =	vcmask $0x1F1C;
	v0 =	vsel vm7, $0x300, v0  }
0x9: {  	s4 =	srdreg.scid;
	vm9 =	vcmask $0x2320;
	v1 =	vlaneseq.u32;
	s6 =	stileid.u32;
	s12 =	simm.s32 $0x138800;
	v0 =	vsel vm8, $0x380, v0  }
0xa: {  	vm10 =	vcmask $0x2724;
	vm11 =	vcmask $0x2B28;
	s13 =	simm.s32 $0x2;
	s14 =	simm.s32 $0x2800;
	s4 =	sand.u32 $0x1, s4;
	v0 =	vsel vm9, $0x1400, v0  }
0xb: {  	vm12 =	vcmask $0x2F2C;
	s15 =	simm.s32 $0x5000;
	s16 =	simm.s32 $0x19400;
	v2 =	vand.u32 $0x3, v1;
	s11 =	sshll.u32 s4, $0x6;
	v3 =	vsel vm10, $0x1480, v0  }
.Ltmp0:
0xc: {  	s17 =	simm.s32 $0x1C680;
	s18 =	simm.s32 $0x1;
	v1 =	vshrl.u32 v1, $0x2;
	v0 =	vor.u32 s11, v2;
	v2 =	vsel vm11, $0x1500, v3;
	(pc) =	sbr.rel .LBB2_1-.Ltmp0, $4  }
0xd: {  	vm13 =	vcmask $0x3330;
	s19 =	simm.s32 $0x0;
	[smem:$0x7FF] =	sst s3;
	s9 =	ssub.s32 $0x2, s4;
	v1 =	vmul.u32 $0x80, v1;
	v2 =	vsel vm12, $0x1580, v2  }
0xe: {  	s5 =	sadd.s32 $0x13B800, s8;
	s7 =	sadd.s32 $0x189A00, s8;
	vm14 =	vcmask $0x3734;
	s10 =	sshrl.u32 s9, $0x1;
	v3 =	vsel vm13, $0x1600, v2  }
0xf: {  	s8 =	sadd.s32 $0x3000, s8;
	_ =	strace $0x80000047;
	vm15 =	vcmask $0x3B38;
	s10 =	ssub.s32 s9, s10;
	v4 =	vor.u32 $0x200, v1;
	v3 =	vsel vm14, $0x1680, v3  }
0x10: {  	s9 =	sshll.u32 s6, $0x1;
	v5 =	vor.u32 $0x1400, v1;
	s10 =	smax.u32 s10, $0x1;
	s11 =	simm.s32 $0x1400;
	v2 =	vimm.f32 $0.0e+00;
	v3 =	vsel vm15, $0x1700, v3  }
.LBB2_9:
0x11: {  	s19 =	sadd.s32 $0x1, s19  }
0x12: {  	p0 =	sne.s32 s19, s10  }
.Ltmp1:
0x13: {  	_ = 	snop;
	(pc) =	sbr.rel @!p0 .LBB2_10-.Ltmp1, $1  }
0x14: {  	_ =	sdelay $0x3  }
.LBB2_1:
0x15: {  	[tilespmem:$0x19000] =	vst v2  }
0x16: {  	[tilespmem:$0x19010] =	vst v2  }
0x17: {  	[tilespmem:$0x19020] =	vst v2  }
.Ltmp2:
0x18: {  	[tilespmem:$0x19030] =	vst v2;
	(pc) =	sbr.rel .LBB2_2-.Ltmp2, $4  }
0x19: {  	[tilespmem:$0x19040] =	vst v2  }
0x1a: {  	[tilespmem:$0x19050] =	vst v2  }
0x1b: {  	[tilespmem:$0x19060] =	vst v2  }
0x1c: {  	[tilespmem:$0x19070] =	vst v2;
	s20 =	simm.s32 $0x0  }
.LBB2_8:
0x1d: {  	s20 =	sadd.s32 $0x1, s20  }
0x1e: {  	p0 =	sne.s32 s20, $0x8  }
.Ltmp3:
0x1f: {  	_ = 	snop;
	(pc) =	sbr.rel @!p0 .LBB2_9-.Ltmp3, $1  }
0x20: {  	_ =	sdelay $0x3  }
.LBB2_2:
0x21: {  	s21 =	sshll.u32 s20, $0x5  }
0x22: {  	s23 =	sor.u32 s9, s21  }
0x23: {  	p0 =	sgt.u32 s23, $0xF9  }
.Ltmp4:
0x24: {  	_ = 	snop;
	(pc) =	sbr.rel @p0 .LBB2_8-.Ltmp4, $1  }
0x25: {  	_ =	sdelay $0x3  }
0x26: {  	s21 =	sor.u32 s4, s23  }
0x27: {  	s24 =	smul.u32 $0x280, s21;
	_ =	sdelay $0x1  }
0x28: {  	s22 =	simm.s32 $0x0;
	s25 =	sadd.s32 s5, s24  }
0x29: {  	[tilespmem:s22], [sflag:$0x2] =	stream.strided.gather [hbm4b:s25+s11], $0x2800, s12, s11, $0x38;
	[tilespmem:$0x1E000] =	vst v63  }
0x2a: {  	_ =	swait.ge [sflag:s13], $0x2800  }
0x2b: {  	[sflag:s13] =	ssyncset.done $0x0  }
0x2c: {  	s31 =	sshrl.u32 s23, $0x1;
	s24 =	sadd.s32 s7, s24;
	[sflag:s13] =	ssyncadd.s32 $0xFFFFD800  }
0x2d: {  	[tilespmem:s14], [sflag:$0x2] =	stream.strided.gather [hbm4b:s24+s11], $0x2800, s12, s11, $0x38;
	[tilespmem:$0x1E000] =	vst v63  }
0x2e: {  	s23 =	smul.u32 $0x2800, s31;
	_ =	swait.ge [sflag:s13], $0x2800  }
0x2f: {  	[sflag:s13] =	ssyncset.done $0x0  }
0x30: {  	s23 =	sadd.s32 s8, s23;
	[sflag:s13] =	ssyncadd.s32 $0xFFFFD800  }
0x31: {  	[tilespmem:s15], [sflag:$0x2] =	stream.linear.gather [hbm4b:s23+s22], $0x14000, $0x38;
	[tilespmem:$0x1E000] =	vst v63  }
0x32: {  	_ =	swait.ge [sflag:s13], $0x14000  }
0x33: {  	[sflag:s13] =	ssyncset.done $0x0  }
0x34: {  	s24 =	simm.s32 $0x1C680;
	s23 =	simm.s32 $0x19420;
	[sflag:s13] =	ssyncadd.s32 $0xFFFEC000  }
.LBB2_4:
0x35: {  	v6 =	vmov s22  }
0x36: {  	v7 =	vshll.u32 v6, $0x3  }
0x37: {  	v8 =	vand.u32 $0x7F, v6;
	v7 =	vand.u32 $0xC00, v7  }
0x38: {  	v7 =	vor.u32 v8, v7  }
0x39: {  	v8 =	vadd.s32 v3, v7;
	_ =	sdelay $0x4  }
0x3a: {  	v8 =	vld.idx.msk [tilespmem:v8+s14+$0x0], $0xffff  }
0x3b: {  	v9 =	vor.u32 v1, v7;
	_ =	sdelay $0x3  }
0x3c: {  	[tilespmem:s24+$0x0] =	vst v8  }
0x3d: {  	v8 =	vld.idx.msk [tilespmem:v9+s3+$0x0], $0xffff;
	_ =	sdelay $0x4  }
0x3e: {  	vm0 =	vgt.s32 v8, $0x0  }
0x3f: {  	v9 =	vnsel vm0, $0x0, v8  }
0x40: {  	v6 =	vshll.u32 v6, $0x7;
	vm11 =	vgt.s32 v8, $0xFFFFFFFF;
	v59 =	vadd.s32 v9, v0  }
0x41: {  	v10 =	vnsel vm11, $0x14000, v6;
	v9 =	vand.u32 $0xFFFFFF80, v59  }
0x42: {  	v8 =	vand.u32 $0x7F, v59;
	v9 =	vadd.s32 v10, v9  }
0x43: {  	v8 =	vor.u32 v8, v9;
	_ =	sdelay $0x4  }
0x44: {  	v8 =	vld.idx.msk [tilespmem:v8+s15+$0x0], $0xffff  }
0x45: {  	v60 =	vor.u32 v4, v7;
	_ =	sdelay $0x3  }
0x46: {  	[tilespmem:s23+$0xFFFFFFE0] =	vst v8  }
0x47: {  	v8 =	vld.idx.msk [tilespmem:v60+s3+$0x0], $0xffff;
	_ =	sdelay $0x4  }
0x48: {  	vm12 =	vgt.s32 v8, $0x0  }
0x49: {  	v9 =	vnsel vm12, $0x0, v8  }
0x4a: {  	vm13 =	vgt.s32 v8, $0xFFFFFFFF;
	v61 =	vadd.s32 v9, v0  }
0x4b: {  	v62 =	vnsel vm13, $0x14000, v6;
	v9 =	vand.u32 $0xFFFFFF80, v61  }
0x4c: {  	v8 =	vand.u32 $0x7F, v61;
	v9 =	vadd.s32 v62, v9  }
0x4d: {  	v8 =	vor.u32 v8, v9;
	_ =	sdelay $0x4  }
0x4e: {  	v8 =	vld.idx.msk [tilespmem:v8+s15+$0x0], $0xffff  }
0x4f: {  	v7 =	vadd.s32 v5, v7;
	_ =	sdelay $0x3  }
0x50: {  	[tilespmem:s23+$0xFFFFFFF0] =	vst v8  }
0x51: {  	v7 =	vld.idx.msk [tilespmem:v7+s3+$0x0], $0xffff;
	_ =	sdelay $0x4  }
0x52: {  	vm14 =	vgt.s32 v7, $0x0  }
0x53: {  	v63 =	vnsel vm14, $0x0, v7  }
0x54: {  	vm15 =	vgt.s32 v7, $0xFFFFFFFF;
	v7 =	vadd.s32 v63, v0  }
0x55: {  	v6 =	vnsel vm15, $0x14000, v6;
	v8 =	vand.u32 $0xFFFFFF80, v7  }
0x56: {  	v7 =	vand.u32 $0x7F, v7;
	v6 =	vadd.s32 v6, v8  }
0x57: {  	v6 =	vor.u32 v7, v6;
	_ =	sdelay $0x4  }
0x58: {  	p0 =	sne.s32 s22, $0x13F;
	v6 =	vld.idx.msk [tilespmem:v6+s15+$0x0], $0xffff  }
.Ltmp5:
0x59: {  	_ = 	snop;
	(pc) =	sbr.rel @p0 .LBB2_4-.Ltmp5, $2  }
0x5a: {  	_ =	sdelay $0x2  }
0x5b: {  	s22 =	sadd.s32 $0x1, s22;
	s24 =	sadd.s32 $0xA, s24;
	[tilespmem:s23+$0x0] =	vst v6;
	s23 =	sadd.s32 $0x28, s23  }
0x5c: {  	s22 =	smul.u32 $0xC80, s21;
	_ =	sdelay $0x1  }
0x5d: {  	s22 =	sadd.s32 s1, s22  }
0x5e: {  	[hbm4b:s22+s3] =	stream.linear.scatter [tilespmem:s16], [sflag:$0x2], $0x3200, $0x38;
	[tilespmem:$0x1E000] =	vst v63  }
0x5f: {  	_ =	swait.ge [sflag:s13], $0x3200  }
0x60: {  	s23 =	simm.s32 $0x1D300;
	[sflag:s13] =	ssyncset.done $0x0  }
0x61: {  	s24 =	simm.s32 $0x19420;
	s22 =	simm.s32 $0x140;
	[sflag:s13] =	ssyncadd.s32 $0xFFFFCE00  }
.LBB2_6:
0x62: {  	v6 =	vmov s22  }
0x63: {  	v7 =	vshll.u32 v6, $0x3  }
0x64: {  	v8 =	vand.u32 $0x7F, v6;
	v7 =	vand.u32 $0x1C00, v7  }
0x65: {  	v7 =	vor.u32 v8, v7  }
0x66: {  	v8 =	vadd.s32 v3, v7;
	_ =	sdelay $0x4  }
0x67: {  	v8 =	vld.idx.msk [tilespmem:v8+s14+$0x0], $0xffff  }
0x68: {  	v9 =	vor.u32 v1, v7;
	_ =	sdelay $0x3  }
0x69: {  	[tilespmem:s23+$0x0] =	vst v8  }
0x6a: {  	v8 =	vld.idx.msk [tilespmem:v9+s3+$0x0], $0xffff;
	_ =	sdelay $0x4  }
0x6b: {  	vm0 =	vgt.s32 v8, $0x0  }
0x6c: {  	v9 =	vnsel vm0, $0x0, v8  }
0x6d: {  	v6 =	vshll.u32 v6, $0x7;
	vm11 =	vgt.s32 v8, $0xFFFFFFFF;
	v59 =	vadd.s32 v9, v0  }
0x6e: {  	v10 =	vnsel vm11, $0x14000, v6;
	v9 =	vand.u32 $0xFFFFFF80, v59  }
0x6f: {  	v8 =	vand.u32 $0x7F, v59;
	v9 =	vadd.s32 v10, v9  }
0x70: {  	v8 =	vor.u32 v8, v9;
	_ =	sdelay $0x4  }
0x71: {  	v8 =	vld.idx.msk [tilespmem:v8+s15+$0x0], $0xffff  }
0x72: {  	v60 =	vor.u32 v4, v7;
	_ =	sdelay $0x3  }
0x73: {  	[tilespmem:s24+$0xFFFFFFE0] =	vst v8  }
0x74: {  	v8 =	vld.idx.msk [tilespmem:v60+s3+$0x0], $0xffff;
	_ =	sdelay $0x4  }
0x75: {  	vm12 =	vgt.s32 v8, $0x0  }
0x76: {  	v9 =	vnsel vm12, $0x0, v8  }
0x77: {  	vm13 =	vgt.s32 v8, $0xFFFFFFFF;
	v61 =	vadd.s32 v9, v0  }
0x78: {  	v62 =	vnsel vm13, $0x14000, v6;
	v9 =	vand.u32 $0xFFFFFF80, v61  }
0x79: {  	v8 =	vand.u32 $0x7F, v61;
	v9 =	vadd.s32 v62, v9  }
0x7a: {  	v8 =	vor.u32 v8, v9;
	_ =	sdelay $0x4  }
0x7b: {  	v8 =	vld.idx.msk [tilespmem:v8+s15+$0x0], $0xffff  }
0x7c: {  	v7 =	vadd.s32 v5, v7;
	_ =	sdelay $0x3  }
0x7d: {  	[tilespmem:s24+$0xFFFFFFF0] =	vst v8  }
0x7e: {  	v7 =	vld.idx.msk [tilespmem:v7+s3+$0x0], $0xffff;
	_ =	sdelay $0x4  }
0x7f: {  	vm14 =	vgt.s32 v7, $0x0  }
0x80: {  	v63 =	vnsel vm14, $0x0, v7  }
0x81: {  	vm15 =	vgt.s32 v7, $0xFFFFFFFF;
	v7 =	vadd.s32 v63, v0  }
0x82: {  	v6 =	vnsel vm15, $0x14000, v6;
	v8 =	vand.u32 $0xFFFFFF80, v7  }
0x83: {  	v7 =	vand.u32 $0x7F, v7;
	v6 =	vadd.s32 v6, v8  }
0x84: {  	v6 =	vor.u32 v7, v6;
	_ =	sdelay $0x4  }
0x85: {  	p0 =	sne.s32 s22, $0x27F;
	v6 =	vld.idx.msk [tilespmem:v6+s15+$0x0], $0xffff  }
.Ltmp6:
0x86: {  	_ = 	snop;
	(pc) =	sbr.rel @p0 .LBB2_6-.Ltmp6, $2  }
0x87: {  	_ =	sdelay $0x2  }
0x88: {  	s22 =	sadd.s32 $0x1, s22;
	s23 =	sadd.s32 $0xA, s23;
	[tilespmem:s24+$0x0] =	vst v6;
	s24 =	sadd.s32 $0x28, s24  }
0x89: {  	s22 =	smul.u32 $0x6400, s21;
	_ =	sdelay $0x1  }
0x8a: {  	s22 =	sshrl.u32 s22, $0x3  }
0x8b: {  	s22 =	sadd.s32 s1, s22  }
0x8c: {  	s22 =	sadd.s32 $0x640, s22  }
0x8d: {  	[hbm4b:s22+s3] =	stream.linear.scatter [tilespmem:s16], [sflag:$0x2], $0x3200, $0x38;
	[tilespmem:$0x1E000] =	vst v63  }
0x8e: {  	s31 =	smul.u32 $0x320, s21;
	_ =	swait.ge [sflag:s13], $0x3200  }
0x8f: {  	[sflag:s13] =	ssyncset.done $0x0  }
.Ltmp7:
0x90: {  	s21 =	sadd.s32 s2, s31;
	[sflag:s13] =	ssyncadd.s32 $0xFFFFCE00;
	(pc) =	sbr.rel .LBB2_8-.Ltmp7, $4  }
0x91: {  	[hbm4b:s21+s3] =	stream.linear.scatter [tilespmem:s17], [sflag:$0x1], $0x1900, $0x38;
	[tilespmem:$0x1E000] =	vst v63  }
0x92: {  	_ =	swait.ge [sflag:s18], $0x1900  }
0x93: {  	[sflag:s18] =	ssyncset.done $0x0  }
0x94: {  	[sflag:s18] =	ssyncadd.s32 $0xFFFFE700  }
.LBB2_10:
0x95: {  	_ =	sfence.sel $0x180000  }
0x96: {  	[bflag:$0x0] =	sbarrier.arrive $0xFFFF  }
0x97: {  	p0 =	sne.s32 s6, $0x0;
	_ =	strace $0x90000047  }
0x98: {  	s0 =	sadd.s32 @!p0 $0x100000, s0;
	[bflag:$0x2] =	sbarrier.arrive $0xFFFF  }
0x99: {  	[sflag:s0] =	ssyncadd.tile.s32 @!p0 $0x1;
	_ =	shalt  }
.Lfunc_end2:
_tile_overlayer_lowered:
.L_overlay_start_2:
0x9a: {  	(tag) =	ssettag $0x2  }
0x9b: {  	s0 =	rddreg [dreg:$0x0];
	s2 =	stileid.u32  }
0x9c: {  	s1 =	rddreg [dreg:$0x1];
	p0 =	sne.s32 s2, $0x0  }
0x9d: {  	s3 =	rddreg [dreg:$0x2];
	[bflag:$0x3] =	sbarrier.arrive $0xFFFF;
	s2 =	simm.s32 @!p0 $0x1C01  }
0x9e: {  	[timem:s3], [sflag:s2] =	dma.local @!p0 [hbm:s0], s1  }
0x9f: {  	s0 =	simm.s32 @!p0 $0x1  }
0xa0: {  	_ =	swait.ge @!p0 [sflag:s0], s1  }
0xa1: {  	s1 =	ssub.s32 @!p0 $0x0, s1;
	[sflag:s0] =	ssyncset.done @!p0 $0x0  }
0xa2: {  	[sflag:s0] =	ssyncadd.s32 @!p0 s1  }
0xa3: {  	[bflag:$0x3] =	sbarrier.arrive $0xFFFF  }
0xa4: {  	_ =	shalt  }

</sc_bundles>
